<compile_context>
chip_gen: v7x
topology: tpu7x:2x2x1
jax: 0.10.2.dev20260603
libtpu: 0.0.44.dev20260713+nightly
codegen_flags: <defaults>
</compile_context>

<pallas_src>
import functools

import jax
import jax.numpy as jnp
from jax import lax
from jax.experimental import pallas as pl
from jax.experimental.pallas import tpu as pltpu
from jax.experimental.pallas import tpu_sc as plsc

B, N, F = 16, 2048, 4
HIDDEN = 64
K = 16
EPS = 1e-5
T = 256
NT = N // T
NEG = -3.0e38


def _knn_proj_kernel(x_ref, pt_ref, wp_ref, wf_ref, idx_ref, s_ref, r_ref):
    b = pl.program_id(0)
    xt = x_ref[0]
    col4 = lax.broadcasted_iota(jnp.int32, (T, 4), 1)
    pos4 = jnp.where(col4 < 3, xt, 0.0)
    pa = pt_ref[0]
    dot = lax.dot_general(pos4, pa, (((1,), (0,)), ((), ())),
                          preferred_element_type=jnp.float32)
    sqt = jnp.sum(pos4 * pos4, axis=1, keepdims=True)
    sqa = jnp.sum(pa * pa, axis=0, keepdims=True)
    d2 = (sqt + sqa) - 2.0 * dot
    cols = lax.broadcasted_iota(jnp.int32, (T, N), 1)
    pk = (lax.bitcast_convert_type(d2, jnp.int32) & jnp.int32(-2048)) | cols
    P = [lax.slice(pk, (0, j * 128), (T, (j + 1) * 128)) for j in range(K)]
    k = 2
    while k <= K:
        j = k >> 1
        while j >= 1:
            for i in range(K):
                l = i ^ j
                if l > i:
                    a, bb = P[i], P[l]
                    lo = jnp.minimum(a, bb)
                    hi = jnp.maximum(a, bb)
                    if (i & k) == 0:
                        P[i], P[l] = lo, hi
                    else:
                        P[i], P[l] = hi, lo
            j >>= 1
        k <<= 1
    sel = []
    for r in range(K):
        h = P[0]
        m = jnp.min(h, axis=1, keepdims=True)
        sel.append(m & 2047)
        if r < K - 1:
            mask = h == m
            for c in range(K - 1 - r):
                P[c] = jnp.where(mask, P[c + 1], P[c])
    idx_ref[0] = jnp.concatenate(sel, axis=1) + b * N
    r = lax.dot_general(pos4, wp_ref[...], (((1,), (0,)), ((), ())),
                        preferred_element_type=jnp.float32)
    s = r + lax.dot_general(xt, wf_ref[...], (((1,), (0,)), ((), ())),
                            preferred_element_type=jnp.float32)
    r_ref[0] = r
    s_ref[0] = jnp.concatenate([s, jnp.zeros((T, HIDDEN), jnp.float32)], axis=1)


def _knn_proj(x, pos4t, wp4g, wf0g):
    return pl.pallas_call(
        _knn_proj_kernel,
        grid=(B, NT),
        in_specs=[
            pl.BlockSpec((1, T, 4), lambda b, i: (b, i, 0)),
            pl.BlockSpec((1, 4, N), lambda b, i: (b, 0, 0)),
            pl.BlockSpec((4, HIDDEN), lambda b, i: (0, 0)),
            pl.BlockSpec((4, HIDDEN), lambda b, i: (0, 0)),
        ],
        out_specs=[
            pl.BlockSpec((1, T, K), lambda b, i: (b, i, 0)),
            pl.BlockSpec((1, T, 2 * HIDDEN), lambda b, i: (b, i, 0)),
            pl.BlockSpec((1, T, HIDDEN), lambda b, i: (b, i, 0)),
        ],
        out_shape=[
            jax.ShapeDtypeStruct((B, N, K), jnp.int32),
            jax.ShapeDtypeStruct((B, N, 2 * HIDDEN), jnp.float32),
            jax.ShapeDtypeStruct((B, N, HIDDEN), jnp.float32),
        ],
        interpret=False,
    )(x, pos4t, wp4g, wf0g)


_NE = B * N * K
_NW = 32
_PW = _NE // _NW
_G = 128


_CH = _PW // _G
_NB = 4


def _sc_gather_body(table_ref, idx_ref, out_ref, idx_v, rows_v,
                    gsems, osems):
    wid = lax.axis_index("s") * 2 + lax.axis_index("c")
    pltpu.sync_copy(idx_ref.at[wid], idx_v)

    def step(g, _):
        for b in range(_NB):
            c = g * _NB + b
            pltpu.make_async_copy(
                table_ref.at[idx_v.at[c]], rows_v.at[b], gsems.at[b]).start()
        for b in range(_NB):
            c = g * _NB + b
            pltpu.make_async_copy(
                table_ref.at[idx_v.at[c]], rows_v.at[b], gsems.at[b]).wait()
        for b in range(_NB):
            c = g * _NB + b
            base = wid * _PW + c * _G
            pltpu.make_async_copy(
                rows_v.at[b], out_ref.at[pl.ds(base, _G)], osems.at[b]).start()
        for b in range(_NB):
            c = g * _NB + b
            base = wid * _PW + c * _G
            pltpu.make_async_copy(
                rows_v.at[b], out_ref.at[pl.ds(base, _G)], osems.at[b]).wait()
        return ()

    lax.fori_loop(0, _CH // _NB, step, (), unroll=False)


def _gather_sc(table, idx3):
    return pl.kernel(
        _sc_gather_body,
        out_type=jax.ShapeDtypeStruct((_NE, 2 * HIDDEN), jnp.float32),
        mesh=plsc.VectorSubcoreMesh(core_axis_name="c", subcore_axis_name="s"),
        scratch_types=[
            pltpu.VMEM((_CH, _G), jnp.int32),
            pltpu.VMEM((_NB, _G, 2 * HIDDEN), jnp.float32),
            pltpu.SemaphoreType.DMA((_NB,)),
            pltpu.SemaphoreType.DMA((_NB,)),
        ],
        compiler_params=pltpu.CompilerParams(use_tc_tiling_on_sc=False),
    )(table, idx3)


def _conv_kernel(sj_ref, r_ref, x_ref, b0_ref, w1_ref, b1_ref, wg_ref, bg_ref,
                 wp_ref, wf_ref, s_ref, rn_ref=None, is_last=False):
    r = r_ref[0]
    b0 = b0_ref[...]
    b1 = b1_ref[...]
    sj = sj_ref[...][:, :HIDDEN]
    r_rep = jnp.reshape(jnp.broadcast_to(r[:, None, :], (T, K, HIDDEN)),
                        (T * K, HIDDEN))
    h1 = jnp.maximum(sj - r_rep + b0, 0.0)
    h2 = lax.dot_general(h1, w1_ref[...], (((1,), (0,)), ((), ())),
                         preferred_element_type=jnp.float32) + b1
    agg = jnp.max(jnp.reshape(h2, (T, K, HIDDEN)), axis=1)
    agg = jnp.maximum(agg, 0.0)
    out = lax.dot_general(agg, wg_ref[...], (((1,), (0,)), ((), ())),
                          preferred_element_type=jnp.float32)
    feat = jnp.maximum(out + bg_ref[...], 0.0)
    if is_last:
        s_ref[0, pl.ds(pl.program_id(1), 1), :] = jnp.max(feat, axis=0, keepdims=True)
    else:
        xt = x_ref[0]
        col4 = lax.broadcasted_iota(jnp.int32, (T, 4), 1)
        pos4 = jnp.where(col4 < 3, xt, 0.0)
        rn = lax.dot_general(pos4, wp_ref[...], (((1,), (0,)), ((), ())),
                             preferred_element_type=jnp.float32)
        s = rn + lax.dot_general(feat, wf_ref[...], (((1,), (0,)), ((), ())),
                                 preferred_element_type=jnp.float32)
        rn_ref[0] = rn
        s_ref[0] = jnp.concatenate([s, jnp.zeros((T, HIDDEN), jnp.float32)],
                                   axis=1)


def _conv(sj, r, x, b0, w1g, b1, wgg, bg, wp4g, wfg, is_last):
    if is_last:
        out_specs = [pl.BlockSpec((1, NT, HIDDEN), lambda b, i: (b, 0, 0))]
        out_shape = [jax.ShapeDtypeStruct((B, NT, HIDDEN), jnp.float32)]
    else:
        out_specs = [
            pl.BlockSpec((1, T, 2 * HIDDEN), lambda b, i: (b, i, 0)),
            pl.BlockSpec((1, T, HIDDEN), lambda b, i: (b, i, 0)),
        ]
        out_shape = [
            jax.ShapeDtypeStruct((B, N, 2 * HIDDEN), jnp.float32),
            jax.ShapeDtypeStruct((B, N, HIDDEN), jnp.float32),
        ]
    return pl.pallas_call(
        functools.partial(_conv_kernel, is_last=is_last),
        grid=(B, NT),
        in_specs=[
            pl.BlockSpec((T * K, 2 * HIDDEN), lambda b, i: (b * NT + i, 0)),
            pl.BlockSpec((1, T, HIDDEN), lambda b, i: (b, i, 0)),
            pl.BlockSpec((1, T, 4), lambda b, i: (b, i, 0)),
            pl.BlockSpec((1, HIDDEN), lambda b, i: (0, 0)),
            pl.BlockSpec((HIDDEN, HIDDEN), lambda b, i: (0, 0)),
            pl.BlockSpec((1, HIDDEN), lambda b, i: (0, 0)),
            pl.BlockSpec((HIDDEN, HIDDEN), lambda b, i: (0, 0)),
            pl.BlockSpec((1, HIDDEN), lambda b, i: (0, 0)),
            pl.BlockSpec((4, HIDDEN), lambda b, i: (0, 0)),
            pl.BlockSpec((HIDDEN, HIDDEN), lambda b, i: (0, 0)),
        ],
        out_specs=out_specs,
        out_shape=out_shape,
        interpret=False,
    )(sj, r, x, b0, w1g, b1, wgg, bg, wp4g, wfg)


def _head_kernel(pm_ref, w0_ref, c0_ref, w1_ref, c1_ref, w2_ref, b2_ref, o_ref):
    a = pm_ref[...]
    pooled = a[:, 0, :]
    for t in range(1, NT):
        pooled = jnp.maximum(pooled, a[:, t, :])
    h = jnp.maximum(lax.dot_general(pooled, w0_ref[...], (((1,), (0,)), ((), ())),
                                    preferred_element_type=jnp.float32) + c0_ref[...], 0.0)
    h = jnp.maximum(lax.dot_general(h, w1_ref[...], (((1,), (0,)), ((), ())),
                                    preferred_element_type=jnp.float32) + c1_ref[...], 0.0)
    o_ref[...] = lax.dot_general(h, w2_ref[...], (((1,), (0,)), ((), ())),
                                 preferred_element_type=jnp.float32) + b2_ref[...]


def _head(pm, w0g, c0, w1g, c1, w2, b2):
    return pl.pallas_call(
        _head_kernel,
        out_shape=jax.ShapeDtypeStruct((B, 3), jnp.float32),
        interpret=False,
    )(pm, w0g, c0, w1g, c1, w2, b2)


def _fold(p):
    g = p["gamma"] / jnp.sqrt(1.0 + EPS)
    return g


def kernel(x, params):
    x = x.astype(jnp.float32)
    pos4t = jnp.swapaxes(jnp.concatenate(
        [x[..., :3], jnp.zeros((B, N, 1), jnp.float32)], axis=-1), 1, 2)

    c0 = params["conv0"]
    g0 = _fold(c0["bn_l0"])
    w0 = c0["local0"]["W"]
    wp4g0 = jnp.concatenate([w0[:3], jnp.zeros((1, HIDDEN), jnp.float32)], 0) * g0
    wf0g = w0[3:] * g0
    b00 = c0["bn_l0"]["beta"][None, :]
    w1g0 = c0["local1"]["W"] * _fold(c0["bn_l1"])
    b10 = c0["bn_l1"]["beta"][None, :]
    wgg0 = c0["global0"]["W"] * _fold(c0["bn_g0"])
    bg0 = c0["bn_g0"]["beta"][None, :]

    c1 = params["conv1"]
    g01 = _fold(c1["bn_l0"])
    w01 = c1["local0"]["W"]
    wp4g1 = jnp.concatenate([w01[:3], jnp.zeros((1, HIDDEN), jnp.float32)], 0) * g01
    wf1g = w01[3:] * g01
    b01 = c1["bn_l0"]["beta"][None, :]
    w1g1 = c1["local1"]["W"] * _fold(c1["bn_l1"])
    b11 = c1["bn_l1"]["beta"][None, :]
    wgg1 = c1["global0"]["W"] * _fold(c1["bn_g0"])
    bg1 = c1["bn_g0"]["beta"][None, :]

    hp = params["head"]
    gh0 = _fold(hp["bn0"])
    wh0 = hp["lin0"]["W"] * gh0
    ch0 = (hp["lin0"]["b"] * gh0 + hp["bn0"]["beta"])[None, :]
    gh1 = _fold(hp["bn1"])
    wh1 = hp["lin1"]["W"] * gh1
    ch1 = (hp["lin1"]["b"] * gh1 + hp["bn1"]["beta"])[None, :]
    wh2 = hp["lin2"]["W"]
    bh2 = hp["lin2"]["b"][None, :]

    gidx, s0, r0 = _knn_proj(x, pos4t, wp4g0, wf0g)

    idx_flat = jnp.reshape(gidx, (_NW, _CH, _G))
    sj0 = _gather_sc(jnp.reshape(s0, (B * N, 2 * HIDDEN)), idx_flat)

    s1, r1 = _conv(sj0, r0, x, b00, w1g0, b10, wgg0, bg0, wp4g1, wf1g, False)

    sj1 = _gather_sc(jnp.reshape(s1, (B * N, 2 * HIDDEN)), idx_flat)
    (pm,) = _conv(sj1, r1, x, b01, w1g1, b11, wgg1, bg1, wp4g1, wf1g, True)

    return _head(pm, wh0, ch0, wh1, ch1, wh2, bh2)

# --- scband reference (transcript-rebuilt; emitter-appended) ---
"""Pipeline reference for scband-point-net-conv-regressor-48490180771927 (READ-ONLY COPY).

The authoritative reference and input builder live on the scoring server;
editing this copy changes nothing except your own understanding.
"""

import jax, jax.numpy as jnp
import numpy as np

B, N, F = 16, 2048, 4
HIDDEN = 64
K = 16
EPS = 1e-5


def _init_linear(key, cin, cout, bias):
    k1, k2 = jax.random.split(key)
    p = {"W": jax.random.normal(k1, (cin, cout), jnp.float32) * (1.0 / np.sqrt(cin))}
    if bias:
        p["b"] = jax.random.normal(k2, (cout,), jnp.float32) * 0.01
    return p


def _init_bn(cout):
    return {"gamma": jnp.ones((cout,), jnp.float32), "beta": jnp.zeros((cout,), jnp.float32)}


def setup_inputs(seed: int = 0) -> dict:
    key = jax.random.key(seed)
    ks = jax.random.split(key, 12)
    x = jax.random.normal(ks[0], (B, N, F), jnp.float32)
    params = {
        "conv0": {
            "local0": _init_linear(ks[1], 3 + F, HIDDEN, False), "bn_l0": _init_bn(HIDDEN),
            "local1": _init_linear(ks[2], HIDDEN, HIDDEN, False), "bn_l1": _init_bn(HIDDEN),
            "global0": _init_linear(ks[3], HIDDEN, HIDDEN, False), "bn_g0": _init_bn(HIDDEN),
        },
        "conv1": {
            "local0": _init_linear(ks[4], 3 + HIDDEN, HIDDEN, False), "bn_l0": _init_bn(HIDDEN),
            "local1": _init_linear(ks[5], HIDDEN, HIDDEN, False), "bn_l1": _init_bn(HIDDEN),
            "global0": _init_linear(ks[6], HIDDEN, HIDDEN, False), "bn_g0": _init_bn(HIDDEN),
        },
        "head": {
            "lin0": _init_linear(ks[7], HIDDEN, 128, True), "bn0": _init_bn(128),
            "lin1": _init_linear(ks[8], 128, 64, True), "bn1": _init_bn(64),
            "lin2": _init_linear(ks[9], 64, 3, True),
        },
    }
    return {"x": x, "params": params}


def _bn(h, p):
    # eval-mode BatchNorm1d with running_mean=0, running_var=1
    return p["gamma"] / jnp.sqrt(1.0 + EPS) * h + p["beta"]


def reference(x, params):
    pos = x[..., :3]                      # [B,N,3]
    feat = x                              # [B,N,F]
    # batched knn_graph with loop=True (self has distance 0, always selected)
    sq = jnp.sum(pos * pos, axis=-1)
    d2 = sq[:, :, None] + sq[:, None, :] - 2.0 * jnp.einsum('bnd,bmd->bnm', pos, pos)
    _, idx = jax.lax.top_k(-d2, K)        # [B,N,K] neighbor (source) indices per dst node
    gather = jax.vmap(lambda a, i: a[i])  # per-batch gather: [N,D],[N,K] -> [N,K,D]
    pos_j = gather(pos, idx)              # [B,N,K,3]
    rel = pos_j - pos[:, :, None, :]      # pos_j - pos_i
    for name in ("conv0", "conv1"):
        p = params[name]
        feat_j = gather(feat, idx)        # [B,N,K,Fc]
        msg = jnp.concatenate([rel, feat_j], axis=-1)
        h = jax.nn.relu(_bn(msg @ p["local0"]["W"], p["bn_l0"]))
        h = jax.nn.relu(_bn(h @ p["local1"]["W"], p["bn_l1"]))
        agg = jnp.max(h, axis=2)          # max aggregation over neighbors
        out = jax.nn.relu(_bn(agg @ p["global0"]["W"], p["bn_g0"]))
        feat = jax.nn.relu(out)           # extra relu in forward (idempotent)
    pooled = jnp.max(feat, axis=1)        # global_max_pool over nodes -> [B,HIDDEN]
    hp = params["head"]
    h = jax.nn.relu(_bn(pooled @ hp["lin0"]["W"] + hp["lin0"]["b"], hp["bn0"]))
    h = jax.nn.relu(_bn(h @ hp["lin1"]["W"] + hp["lin1"]["b"], hp["bn1"]))
    return h @ hp["lin2"]["W"] + hp["lin2"]["b"]  # [B,3]

if __name__ == "__main__":
    import jax
    _d = setup_inputs()
    print(jax.jit(kernel)(*tuple(_d.values())))

</pallas_src>

<mosaic_0001>
#map = affine_map<(d0, d1) -> (0, 0)>
#map1 = affine_map<(d0, d1) -> (0, 0, 0)>
module attributes {stable_mosaic.version = 14 : i64} {
  func.func @_sc_gather_body(%arg0: i32, %arg1: i32, %arg2: memref<32768x128xf32, #tpu.memory_space<hbm>>, %arg3: memref<32x128x128xi32, #tpu.memory_space<hbm>>, %arg4: memref<524288x128xf32, #tpu.memory_space<hbm>>, %arg5: memref<128x128xi32, #tpu.memory_space<vmem>>, %arg6: memref<4x128x128xf32, #tpu.memory_space<vmem>>, %arg7: memref<4x!tpu.dma_semaphore, #tpu.memory_space<semaphore_mem>>, %arg8: memref<4x!tpu.dma_semaphore, #tpu.memory_space<semaphore_mem>>) attributes {dimension_semantics = [#tpu.dimension_semantics<core_parallel>, #tpu.dimension_semantics<subcore_parallel>], iteration_bounds = array<i64: 2, 16>, scalar_prefetch = 0 : i64, scratch_operands = 4 : i64, tpu.core_type = #tpu.core_type<sc_vector_subcore>, window_params = [{transform_indices = #map}, {transform_indices = #map1}, {transform_indices = #map}]} {
    %mul3A = arith.constant 2 : i32
    %mul3A_0 = arith.muli %arg1, %mul3A : i32
    %add3A = arith.addi %mul3A_0, %arg0 : i32
    "tpu.region"() ({
      %run_scoped3A = tpu.sem_alloc : memref<!tpu.dma_semaphore, #tpu.memory_space<semaphore_mem>>
      %dma_start3A = arith.constant 0 : i32
      %dma_start3A_5 = arith.constant 0 : i32
      %dma_start3A_6 = tpu.memref_slice %arg3[%add3A, %dma_start3A, %dma_start3A_5] : memref<32x128x128xi32, #tpu.memory_space<hbm>> -> memref<1x128x128xi32, #tpu.memory_space<hbm>>
      %dma_start3A_7 = tpu.memref_squeeze %dma_start3A_6 : memref<1x128x128xi32, #tpu.memory_space<hbm>> -> memref<128x128xi32, #tpu.memory_space<hbm>>
      %dma_start3A_8 = arith.constant 0 : i32
      %dma_start3A_9 = arith.constant 0 : i32
      %dma_start3A_10 = tpu.memref_slice %arg3[%add3A, %dma_start3A_8, %dma_start3A_9] : memref<32x128x128xi32, #tpu.memory_space<hbm>> -> memref<1x128x128xi32, #tpu.memory_space<hbm>>
      %dma_start3A_11 = tpu.memref_squeeze %dma_start3A_10 : memref<1x128x128xi32, #tpu.memory_space<hbm>> -> memref<128x128xi32, #tpu.memory_space<hbm>>
      tpu.enqueue_dma source(%dma_start3A_11 : memref<128x128xi32, #tpu.memory_space<hbm>>) target(%arg5 : memref<128x128xi32, #tpu.memory_space<vmem>>) target_semaphore(%run_scoped3A : memref<!tpu.dma_semaphore, #tpu.memory_space<semaphore_mem>>)
      %dma_wait3A = arith.constant 0 : i32
      %dma_wait3A_12 = arith.constant 0 : i32
      %dma_wait3A_13 = tpu.memref_slice %arg3[%add3A, %dma_wait3A, %dma_wait3A_12] : memref<32x128x128xi32, #tpu.memory_space<hbm>> -> memref<1x128x128xi32, #tpu.memory_space<hbm>>
      %dma_wait3A_14 = tpu.memref_squeeze %dma_wait3A_13 : memref<1x128x128xi32, #tpu.memory_space<hbm>> -> memref<128x128xi32, #tpu.memory_space<hbm>>
      %dma_wait3A_15 = arith.constant 0 : i32
      %dma_wait3A_16 = arith.constant 0 : i32
      %dma_wait3A_17 = tpu.memref_slice %arg3[%add3A, %dma_wait3A_15, %dma_wait3A_16] : memref<32x128x128xi32, #tpu.memory_space<hbm>> -> memref<1x128x128xi32, #tpu.memory_space<hbm>>
      %dma_wait3A_18 = tpu.memref_squeeze %dma_wait3A_17 : memref<1x128x128xi32, #tpu.memory_space<hbm>> -> memref<128x128xi32, #tpu.memory_space<hbm>>
      tpu.wait_dma2 semaphore(%run_scoped3A : memref<!tpu.dma_semaphore, #tpu.memory_space<semaphore_mem>>) src(%dma_wait3A_18 : memref<128x128xi32, #tpu.memory_space<hbm>>) dst(%arg5 : memref<128x128xi32, #tpu.memory_space<vmem>>)
      tpu.yield
    }) : () -> ()
    %scan3A = arith.constant 0 : i32
    %scan3A_1 = arith.constant 32 : i32
    %scan3A_2 = arith.addi %scan3A, %scan3A_1 : i32
    %scan3A_3 = arith.constant 1 : i32
    scf.for %scan3A_5 = %scan3A to %scan3A_2 step %scan3A_3  : i32 {
      %mul3A_6 = arith.constant 4 : i32
      %mul3A_7 = arith.muli %scan3A_5, %mul3A_6 : i32
      %add3A_8 = arith.constant 0 : i32
      %add3A_9 = arith.addi %mul3A_7, %add3A_8 : i32
      %dma_start3A = arith.constant 0 : i32
      %dma_start3A_10 = arith.constant 0 : i32
      %dma_start3A_11 = arith.constant 0 : i32
      %dma_start3A_12 = arith.constant 0 : i32
      %dma_start3A_13 = tpu.memref_slice %arg6[%dma_start3A, %dma_start3A_11, %dma_start3A_12] : memref<4x128x128xf32, #tpu.memory_space<vmem>> -> memref<1x128x128xf32, #tpu.memory_space<vmem>>
      %dma_start3A_14 = tpu.memref_squeeze %dma_start3A_13 : memref<1x128x128xf32, #tpu.memory_space<vmem>> -> memref<128x128xf32, #tpu.memory_space<vmem>>
      %dma_start3A_15 = arith.constant 0 : i32
      %dma_start3A_16 = tpu.memref_slice %arg5[%add3A_9, %dma_start3A_15] : memref<128x128xi32, #tpu.memory_space<vmem>> -> memref<1x128xi32, #tpu.memory_space<vmem>>
      %dma_start3A_17 = tpu.memref_squeeze %dma_start3A_16 : memref<1x128xi32, #tpu.memory_space<vmem>> -> memref<128xi32, #tpu.memory_space<vmem>>
      %dma_start3A_18 = arith.constant 0 : i32
      %dma_start3A_19 = arith.constant 0 : i32
      %dma_start3A_20 = tpu.memref_slice %arg2[%dma_start3A_18, %dma_start3A_19] : memref<32768x128xf32, #tpu.memory_space<hbm>> -> memref<32768x128xf32, #tpu.memory_space<hbm>>
      %dma_start3A_21 = tpu.memref_slice %arg7[%dma_start3A_10] : memref<4x!tpu.dma_semaphore, #tpu.memory_space<semaphore_mem>> -> memref<1x!tpu.dma_semaphore, #tpu.memory_space<semaphore_mem>>
      %dma_start3A_22 = tpu.memref_squeeze %dma_start3A_21 : memref<1x!tpu.dma_semaphore, #tpu.memory_space<semaphore_mem>> -> memref<!tpu.dma_semaphore, #tpu.memory_space<semaphore_mem>>
      tpu.enqueue_indirect_dma source(%dma_start3A_20 : memref<32768x128xf32, #tpu.memory_space<hbm>>) target(%dma_start3A_14 : memref<128x128xf32, #tpu.memory_space<vmem>>) offsets(%dma_start3A_17 : memref<128xi32, #tpu.memory_space<vmem>>) semaphore(%dma_start3A_22 : memref<!tpu.dma_semaphore, #tpu.memory_space<semaphore_mem>>)
      %mul3A_23 = arith.constant 4 : i32
      %mul3A_24 = arith.muli %scan3A_5, %mul3A_23 : i32
      %add3A_25 = arith.constant 1 : i32
      %add3A_26 = arith.addi %mul3A_24, %add3A_25 : i32
      %dma_start3A_27 = arith.constant 1 : i32
      %dma_start3A_28 = arith.constant 1 : i32
      %dma_start3A_29 = arith.constant 0 : i32
      %dma_start3A_30 = arith.constant 0 : i32
      %dma_start3A_31 = tpu.memref_slice %arg6[%dma_start3A_27, %dma_start3A_29, %dma_start3A_30] : memref<4x128x128xf32, #tpu.memory_space<vmem>> -> memref<1x128x128xf32, #tpu.memory_space<vmem>>
      %dma_start3A_32 = tpu.memref_squeeze %dma_start3A_31 : memref<1x128x128xf32, #tpu.memory_space<vmem>> -> memref<128x128xf32, #tpu.memory_space<vmem>>
      %dma_start3A_33 = arith.constant 0 : i32
      %dma_start3A_34 = tpu.memref_slice %arg5[%add3A_26, %dma_start3A_33] : memref<128x128xi32, #tpu.memory_space<vmem>> -> memref<1x128xi32, #tpu.memory_space<vmem>>
      %dma_start3A_35 = tpu.memref_squeeze %dma_start3A_34 : memref<1x128xi32, #tpu.memory_space<vmem>> -> memref<128xi32, #tpu.memory_space<vmem>>
      %dma_start3A_36 = arith.constant 0 : i32
      %dma_start3A_37 = arith.constant 0 : i32
      %dma_start3A_38 = tpu.memref_slice %arg2[%dma_start3A_36, %dma_start3A_37] : memref<32768x128xf32, #tpu.memory_space<hbm>> -> memref<32768x128xf32, #tpu.memory_space<hbm>>
      %dma_start3A_39 = tpu.memref_slice %arg7[%dma_start3A_28] : memref<4x!tpu.dma_semaphore, #tpu.memory_space<semaphore_mem>> -> memref<1x!tpu.dma_semaphore, #tpu.memory_space<semaphore_mem>>
      %dma_start3A_40 = tpu.memref_squeeze %dma_start3A_39 : memref<1x!tpu.dma_semaphore, #tpu.memory_space<semaphore_mem>> -> memref<!tpu.dma_semaphore, #tpu.memory_space<semaphore_mem>>
      tpu.enqueue_indirect_dma source(%dma_start3A_38 : memref<32768x128xf32, #tpu.memory_space<hbm>>) target(%dma_start3A_32 : memref<128x128xf32, #tpu.memory_space<vmem>>) offsets(%dma_start3A_35 : memref<128xi32, #tpu.memory_space<vmem>>) semaphore(%dma_start3A_40 : memref<!tpu.dma_semaphore, #tpu.memory_space<semaphore_mem>>)
      %mul3A_41 = arith.constant 4 : i32
      %mul3A_42 = arith.muli %scan3A_5, %mul3A_41 : i32
      %add3A_43 = arith.constant 2 : i32
      %add3A_44 = arith.addi %mul3A_42, %add3A_43 : i32
      %dma_start3A_45 = arith.constant 2 : i32
      %dma_start3A_46 = arith.constant 2 : i32
      %dma_start3A_47 = arith.constant 0 : i32
      %dma_start3A_48 = arith.constant 0 : i32
      %dma_start3A_49 = tpu.memref_slice %arg6[%dma_start3A_45, %dma_start3A_47, %dma_start3A_48] : memref<4x128x128xf32, #tpu.memory_space<vmem>> -> memref<1x128x128xf32, #tpu.memory_space<vmem>>
      %dma_start3A_50 = tpu.memref_squeeze %dma_start3A_49 : memref<1x128x128xf32, #tpu.memory_space<vmem>> -> memref<128x128xf32, #tpu.memory_space<vmem>>
      %dma_start3A_51 = arith.constant 0 : i32
      %dma_start3A_52 = tpu.memref_slice %arg5[%add3A_44, %dma_start3A_51] : memref<128x128xi32, #tpu.memory_space<vmem>> -> memref<1x128xi32, #tpu.memory_space<vmem>>
      %dma_start3A_53 = tpu.memref_squeeze %dma_start3A_52 : memref<1x128xi32, #tpu.memory_space<vmem>> -> memref<128xi32, #tpu.memory_space<vmem>>
      %dma_start3A_54 = arith.constant 0 : i32
      %dma_start3A_55 = arith.constant 0 : i32
      %dma_start3A_56 = tpu.memref_slice %arg2[%dma_start3A_54, %dma_start3A_55] : memref<32768x128xf32, #tpu.memory_space<hbm>> -> memref<32768x128xf32, #tpu.memory_space<hbm>>
      %dma_start3A_57 = tpu.memref_slice %arg7[%dma_start3A_46] : memref<4x!tpu.dma_semaphore, #tpu.memory_space<semaphore_mem>> -> memref<1x!tpu.dma_semaphore, #tpu.memory_space<semaphore_mem>>
      %dma_start3A_58 = tpu.memref_squeeze %dma_start3A_57 : memref<1x!tpu.dma_semaphore, #tpu.memory_space<semaphore_mem>> -> memref<!tpu.dma_semaphore, #tpu.memory_space<semaphore_mem>>
      tpu.enqueue_indirect_dma source(%dma_start3A_56 : memref<32768x128xf32, #tpu.memory_space<hbm>>) target(%dma_start3A_50 : memref<128x128xf32, #tpu.memory_space<vmem>>) offsets(%dma_start3A_53 : memref<128xi32, #tpu.memory_space<vmem>>) semaphore(%dma_start3A_58 : memref<!tpu.dma_semaphore, #tpu.memory_space<semaphore_mem>>)
      %mul3A_59 = arith.constant 4 : i32
      %mul3A_60 = arith.muli %scan3A_5, %mul3A_59 : i32
      %add3A_61 = arith.constant 3 : i32
      %add3A_62 = arith.addi %mul3A_60, %add3A_61 : i32
      %dma_start3A_63 = arith.constant 3 : i32
      %dma_start3A_64 = arith.constant 3 : i32
      %dma_start3A_65 = arith.constant 0 : i32
      %dma_start3A_66 = arith.constant 0 : i32
      %dma_start3A_67 = tpu.memref_slice %arg6[%dma_start3A_63, %dma_start3A_65, %dma_start3A_66] : memref<4x128x128xf32, #tpu.memory_space<vmem>> -> memref<1x128x128xf32, #tpu.memory_space<vmem>>
      %dma_start3A_68 = tpu.memref_squeeze %dma_start3A_67 : memref<1x128x128xf32, #tpu.memory_space<vmem>> -> memref<128x128xf32, #tpu.memory_space<vmem>>
      %dma_start3A_69 = arith.constant 0 : i32
      %dma_start3A_70 = tpu.memref_slice %arg5[%add3A_62, %dma_start3A_69] : memref<128x128xi32, #tpu.memory_space<vmem>> -> memref<1x128xi32, #tpu.memory_space<vmem>>
      %dma_start3A_71 = tpu.memref_squeeze %dma_start3A_70 : memref<1x128xi32, #tpu.memory_space<vmem>> -> memref<128xi32, #tpu.memory_space<vmem>>
      %dma_start3A_72 = arith.constant 0 : i32
      %dma_start3A_73 = arith.constant 0 : i32
      %dma_start3A_74 = tpu.memref_slice %arg2[%dma_start3A_72, %dma_start3A_73] : memref<32768x128xf32, #tpu.memory_space<hbm>> -> memref<32768x128xf32, #tpu.memory_space<hbm>>
      %dma_start3A_75 = tpu.memref_slice %arg7[%dma_start3A_64] : memref<4x!tpu.dma_semaphore, #tpu.memory_space<semaphore_mem>> -> memref<1x!tpu.dma_semaphore, #tpu.memory_space<semaphore_mem>>
      %dma_start3A_76 = tpu.memref_squeeze %dma_start3A_75 : memref<1x!tpu.dma_semaphore, #tpu.memory_space<semaphore_mem>> -> memref<!tpu.dma_semaphore, #tpu.memory_space<semaphore_mem>>
      tpu.enqueue_indirect_dma source(%dma_start3A_74 : memref<32768x128xf32, #tpu.memory_space<hbm>>) target(%dma_start3A_68 : memref<128x128xf32, #tpu.memory_space<vmem>>) offsets(%dma_start3A_71 : memref<128xi32, #tpu.memory_space<vmem>>) semaphore(%dma_start3A_76 : memref<!tpu.dma_semaphore, #tpu.memory_space<semaphore_mem>>)
      %mul3A_77 = arith.constant 4 : i32
      %mul3A_78 = arith.muli %scan3A_5, %mul3A_77 : i32
      %add3A_79 = arith.constant 0 : i32
      %add3A_80 = arith.addi %mul3A_78, %add3A_79 : i32
      %dma_wait3A = arith.constant 0 : i32
      %dma_wait3A_81 = arith.constant 0 : i32
      %dma_wait3A_82 = arith.constant 0 : i32
      %dma_wait3A_83 = arith.constant 0 : i32
      %dma_wait3A_84 = tpu.memref_slice %arg6[%dma_wait3A, %dma_wait3A_82, %dma_wait3A_83] : memref<4x128x128xf32, #tpu.memory_space<vmem>> -> memref<1x128x128xf32, #tpu.memory_space<vmem>>
      %dma_wait3A_85 = tpu.memref_squeeze %dma_wait3A_84 : memref<1x128x128xf32, #tpu.memory_space<vmem>> -> memref<128x128xf32, #tpu.memory_space<vmem>>
      %dma_wait3A_86 = arith.constant 0 : i32
      %dma_wait3A_87 = tpu.memref_slice %arg5[%add3A_80, %dma_wait3A_86] : memref<128x128xi32, #tpu.memory_space<vmem>> -> memref<1x128xi32, #tpu.memory_space<vmem>>
      %dma_wait3A_88 = tpu.memref_squeeze %dma_wait3A_87 : memref<1x128xi32, #tpu.memory_space<vmem>> -> memref<128xi32, #tpu.memory_space<vmem>>
      %dma_wait3A_89 = arith.constant 0 : i32
      %dma_wait3A_90 = arith.constant 0 : i32
      %dma_wait3A_91 = tpu.memref_slice %arg2[%dma_wait3A_89, %dma_wait3A_90] : memref<32768x128xf32, #tpu.memory_space<hbm>> -> memref<32768x128xf32, #tpu.memory_space<hbm>>
      %dma_wait3A_92 = tpu.memref_slice %arg7[%dma_wait3A_81] : memref<4x!tpu.dma_semaphore, #tpu.memory_space<semaphore_mem>> -> memref<1x!tpu.dma_semaphore, #tpu.memory_space<semaphore_mem>>
      %dma_wait3A_93 = tpu.memref_squeeze %dma_wait3A_92 : memref<1x!tpu.dma_semaphore, #tpu.memory_space<semaphore_mem>> -> memref<!tpu.dma_semaphore, #tpu.memory_space<semaphore_mem>>
      tpu.wait_indirect_dma semaphore(%dma_wait3A_93 : memref<!tpu.dma_semaphore, #tpu.memory_space<semaphore_mem>>) src(%dma_wait3A_91 : memref<32768x128xf32, #tpu.memory_space<hbm>>) dst(%dma_wait3A_85 : memref<128x128xf32, #tpu.memory_space<vmem>>)
      %mul3A_94 = arith.constant 4 : i32
      %mul3A_95 = arith.muli %scan3A_5, %mul3A_94 : i32
      %add3A_96 = arith.constant 1 : i32
      %add3A_97 = arith.addi %mul3A_95, %add3A_96 : i32
      %dma_wait3A_98 = arith.constant 1 : i32
      %dma_wait3A_99 = arith.constant 1 : i32
      %dma_wait3A_100 = arith.constant 0 : i32
      %dma_wait3A_101 = arith.constant 0 : i32
      %dma_wait3A_102 = tpu.memref_slice %arg6[%dma_wait3A_98, %dma_wait3A_100, %dma_wait3A_101] : memref<4x128x128xf32, #tpu.memory_space<vmem>> -> memref<1x128x128xf32, #tpu.memory_space<vmem>>
      %dma_wait3A_103 = tpu.memref_squeeze %dma_wait3A_102 : memref<1x128x128xf32, #tpu.memory_space<vmem>> -> memref<128x128xf32, #tpu.memory_space<vmem>>
      %dma_wait3A_104 = arith.constant 0 : i32
      %dma_wait3A_105 = tpu.memref_slice %arg5[%add3A_97, %dma_wait3A_104] : memref<128x128xi32, #tpu.memory_space<vmem>> -> memref<1x128xi32, #tpu.memory_space<vmem>>
      %dma_wait3A_106 = tpu.memref_squeeze %dma_wait3A_105 : memref<1x128xi32, #tpu.memory_space<vmem>> -> memref<128xi32, #tpu.memory_space<vmem>>
      %dma_wait3A_107 = arith.constant 0 : i32
      %dma_wait3A_108 = arith.constant 0 : i32
      %dma_wait3A_109 = tpu.memref_slice %arg2[%dma_wait3A_107, %dma_wait3A_108] : memref<32768x128xf32, #tpu.memory_space<hbm>> -> memref<32768x128xf32, #tpu.memory_space<hbm>>
      %dma_wait3A_110 = tpu.memref_slice %arg7[%dma_wait3A_99] : memref<4x!tpu.dma_semaphore, #tpu.memory_space<semaphore_mem>> -> memref<1x!tpu.dma_semaphore, #tpu.memory_space<semaphore_mem>>
      %dma_wait3A_111 = tpu.memref_squeeze %dma_wait3A_110 : memref<1x!tpu.dma_semaphore, #tpu.memory_space<semaphore_mem>> -> memref<!tpu.dma_semaphore, #tpu.memory_space<semaphore_mem>>
      tpu.wait_indirect_dma semaphore(%dma_wait3A_111 : memref<!tpu.dma_semaphore, #tpu.memory_space<semaphore_mem>>) src(%dma_wait3A_109 : memref<32768x128xf32, #tpu.memory_space<hbm>>) dst(%dma_wait3A_103 : memref<128x128xf32, #tpu.memory_space<vmem>>)
      %mul3A_112 = arith.constant 4 : i32
      %mul3A_113 = arith.muli %scan3A_5, %mul3A_112 : i32
      %add3A_114 = arith.constant 2 : i32
      %add3A_115 = arith.addi %mul3A_113, %add3A_114 : i32
      %dma_wait3A_116 = arith.constant 2 : i32
      %dma_wait3A_117 = arith.constant 2 : i32
      %dma_wait3A_118 = arith.constant 0 : i32
      %dma_wait3A_119 = arith.constant 0 : i32
      %dma_wait3A_120 = tpu.memref_slice %arg6[%dma_wait3A_116, %dma_wait3A_118, %dma_wait3A_119] : memref<4x128x128xf32, #tpu.memory_space<vmem>> -> memref<1x128x128xf32, #tpu.memory_space<vmem>>
      %dma_wait3A_121 = tpu.memref_squeeze %dma_wait3A_120 : memref<1x128x128xf32, #tpu.memory_space<vmem>> -> memref<128x128xf32, #tpu.memory_space<vmem>>
      %dma_wait3A_122 = arith.constant 0 : i32
      %dma_wait3A_123 = tpu.memref_slice %arg5[%add3A_115, %dma_wait3A_122] : memref<128x128xi32, #tpu.memory_space<vmem>> -> memref<1x128xi32, #tpu.memory_space<vmem>>
      %dma_wait3A_124 = tpu.memref_squeeze %dma_wait3A_123 : memref<1x128xi32, #tpu.memory_space<vmem>> -> memref<128xi32, #tpu.memory_space<vmem>>
      %dma_wait3A_125 = arith.constant 0 : i32
      %dma_wait3A_126 = arith.constant 0 : i32
      %dma_wait3A_127 = tpu.memref_slice %arg2[%dma_wait3A_125, %dma_wait3A_126] : memref<32768x128xf32, #tpu.memory_space<hbm>> -> memref<32768x128xf32, #tpu.memory_space<hbm>>
      %dma_wait3A_128 = tpu.memref_slice %arg7[%dma_wait3A_117] : memref<4x!tpu.dma_semaphore, #tpu.memory_space<semaphore_mem>> -> memref<1x!tpu.dma_semaphore, #tpu.memory_space<semaphore_mem>>
      %dma_wait3A_129 = tpu.memref_squeeze %dma_wait3A_128 : memref<1x!tpu.dma_semaphore, #tpu.memory_space<semaphore_mem>> -> memref<!tpu.dma_semaphore, #tpu.memory_space<semaphore_mem>>
      tpu.wait_indirect_dma semaphore(%dma_wait3A_129 : memref<!tpu.dma_semaphore, #tpu.memory_space<semaphore_mem>>) src(%dma_wait3A_127 : memref<32768x128xf32, #tpu.memory_space<hbm>>) dst(%dma_wait3A_121 : memref<128x128xf32, #tpu.memory_space<vmem>>)
      %mul3A_130 = arith.constant 4 : i32
      %mul3A_131 = arith.muli %scan3A_5, %mul3A_130 : i32
      %add3A_132 = arith.constant 3 : i32
      %add3A_133 = arith.addi %mul3A_131, %add3A_132 : i32
      %dma_wait3A_134 = arith.constant 3 : i32
      %dma_wait3A_135 = arith.constant 3 : i32
      %dma_wait3A_136 = arith.constant 0 : i32
      %dma_wait3A_137 = arith.constant 0 : i32
      %dma_wait3A_138 = tpu.memref_slice %arg6[%dma_wait3A_134, %dma_wait3A_136, %dma_wait3A_137] : memref<4x128x128xf32, #tpu.memory_space<vmem>> -> memref<1x128x128xf32, #tpu.memory_space<vmem>>
      %dma_wait3A_139 = tpu.memref_squeeze %dma_wait3A_138 : memref<1x128x128xf32, #tpu.memory_space<vmem>> -> memref<128x128xf32, #tpu.memory_space<vmem>>
      %dma_wait3A_140 = arith.constant 0 : i32
      %dma_wait3A_141 = tpu.memref_slice %arg5[%add3A_133, %dma_wait3A_140] : memref<128x128xi32, #tpu.memory_space<vmem>> -> memref<1x128xi32, #tpu.memory_space<vmem>>
      %dma_wait3A_142 = tpu.memref_squeeze %dma_wait3A_141 : memref<1x128xi32, #tpu.memory_space<vmem>> -> memref<128xi32, #tpu.memory_space<vmem>>
      %dma_wait3A_143 = arith.constant 0 : i32
      %dma_wait3A_144 = arith.constant 0 : i32
      %dma_wait3A_145 = tpu.memref_slice %arg2[%dma_wait3A_143, %dma_wait3A_144] : memref<32768x128xf32, #tpu.memory_space<hbm>> -> memref<32768x128xf32, #tpu.memory_space<hbm>>
      %dma_wait3A_146 = tpu.memref_slice %arg7[%dma_wait3A_135] : memref<4x!tpu.dma_semaphore, #tpu.memory_space<semaphore_mem>> -> memref<1x!tpu.dma_semaphore, #tpu.memory_space<semaphore_mem>>
      %dma_wait3A_147 = tpu.memref_squeeze %dma_wait3A_146 : memref<1x!tpu.dma_semaphore, #tpu.memory_space<semaphore_mem>> -> memref<!tpu.dma_semaphore, #tpu.memory_space<semaphore_mem>>
      tpu.wait_indirect_dma semaphore(%dma_wait3A_147 : memref<!tpu.dma_semaphore, #tpu.memory_space<semaphore_mem>>) src(%dma_wait3A_145 : memref<32768x128xf32, #tpu.memory_space<hbm>>) dst(%dma_wait3A_139 : memref<128x128xf32, #tpu.memory_space<vmem>>)
      %mul3A_148 = arith.constant 4 : i32
      %mul3A_149 = arith.muli %scan3A_5, %mul3A_148 : i32
      %add3A_150 = arith.constant 0 : i32
      %add3A_151 = arith.addi %mul3A_149, %add3A_150 : i32
      %mul3A_152 = arith.constant 16384 : i32
      %mul3A_153 = arith.muli %add3A, %mul3A_152 : i32
      %mul3A_154 = arith.constant 128 : i32
      %mul3A_155 = arith.muli %add3A_151, %mul3A_154 : i32
      %add3A_156 = arith.addi %mul3A_153, %mul3A_155 : i32
      %dma_start3A_157 = arith.constant 0 : i32
      %dma_start3A_158 = arith.constant 0 : i32
      %dma_start3A_159 = arith.constant 0 : i32
      %dma_start3A_160 = arith.constant 0 : i32
      %dma_start3A_161 = tpu.memref_slice %arg6[%dma_start3A_157, %dma_start3A_159, %dma_start3A_160] : memref<4x128x128xf32, #tpu.memory_space<vmem>> -> memref<1x128x128xf32, #tpu.memory_space<vmem>>
      %dma_start3A_162 = tpu.memref_squeeze %dma_start3A_161 : memref<1x128x128xf32, #tpu.memory_space<vmem>> -> memref<128x128xf32, #tpu.memory_space<vmem>>
      %dma_start3A_163 = arith.constant 0 : i32
      %dma_start3A_164 = tpu.memref_slice %arg4[%add3A_156, %dma_start3A_163] : memref<524288x128xf32, #tpu.memory_space<hbm>> -> memref<128x128xf32, #tpu.memory_space<hbm>>
      %dma_start3A_165 = tpu.memref_slice %arg8[%dma_start3A_158] : memref<4x!tpu.dma_semaphore, #tpu.memory_space<semaphore_mem>> -> memref<1x!tpu.dma_semaphore, #tpu.memory_space<semaphore_mem>>
      %dma_start3A_166 = tpu.memref_squeeze %dma_start3A_165 : memref<1x!tpu.dma_semaphore, #tpu.memory_space<semaphore_mem>> -> memref<!tpu.dma_semaphore, #tpu.memory_space<semaphore_mem>>
      %dma_start3A_167 = arith.constant 0 : i32
      %dma_start3A_168 = tpu.memref_slice %arg4[%add3A_156, %dma_start3A_167] : memref<524288x128xf32, #tpu.memory_space<hbm>> -> memref<128x128xf32, #tpu.memory_space<hbm>>
      %dma_start3A_169 = arith.constant 0 : i32
      %dma_start3A_170 = arith.constant 0 : i32
      %dma_start3A_171 = tpu.memref_slice %arg6[%dma_start3A_157, %dma_start3A_169, %dma_start3A_170] : memref<4x128x128xf32, #tpu.memory_space<vmem>> -> memref<1x128x128xf32, #tpu.memory_space<vmem>>
      %dma_start3A_172 = tpu.memref_squeeze %dma_start3A_171 : memref<1x128x128xf32, #tpu.memory_space<vmem>> -> memref<128x128xf32, #tpu.memory_space<vmem>>
      tpu.enqueue_dma source(%dma_start3A_172 : memref<128x128xf32, #tpu.memory_space<vmem>>) target(%dma_start3A_168 : memref<128x128xf32, #tpu.memory_space<hbm>>) target_semaphore(%dma_start3A_166 : memref<!tpu.dma_semaphore, #tpu.memory_space<semaphore_mem>>)
      %mul3A_173 = arith.constant 4 : i32
      %mul3A_174 = arith.muli %scan3A_5, %mul3A_173 : i32
      %add3A_175 = arith.constant 1 : i32
      %add3A_176 = arith.addi %mul3A_174, %add3A_175 : i32
      %mul3A_177 = arith.constant 16384 : i32
      %mul3A_178 = arith.muli %add3A, %mul3A_177 : i32
      %mul3A_179 = arith.constant 128 : i32
      %mul3A_180 = arith.muli %add3A_176, %mul3A_179 : i32
      %add3A_181 = arith.addi %mul3A_178, %mul3A_180 : i32
      %dma_start3A_182 = arith.constant 1 : i32
      %dma_start3A_183 = arith.constant 1 : i32
      %dma_start3A_184 = arith.constant 0 : i32
      %dma_start3A_185 = arith.constant 0 : i32
      %dma_start3A_186 = tpu.memref_slice %arg6[%dma_start3A_182, %dma_start3A_184, %dma_start3A_185] : memref<4x128x128xf32, #tpu.memory_space<vmem>> -> memref<1x128x128xf32, #tpu.memory_space<vmem>>
      %dma_start3A_187 = tpu.memref_squeeze %dma_start3A_186 : memref<1x128x128xf32, #tpu.memory_space<vmem>> -> memref<128x128xf32, #tpu.memory_space<vmem>>
      %dma_start3A_188 = arith.constant 0 : i32
      %dma_start3A_189 = tpu.memref_slice %arg4[%add3A_181, %dma_start3A_188] : memref<524288x128xf32, #tpu.memory_space<hbm>> -> memref<128x128xf32, #tpu.memory_space<hbm>>
      %dma_start3A_190 = tpu.memref_slice %arg8[%dma_start3A_183] : memref<4x!tpu.dma_semaphore, #tpu.memory_space<semaphore_mem>> -> memref<1x!tpu.dma_semaphore, #tpu.memory_space<semaphore_mem>>
      %dma_start3A_191 = tpu.memref_squeeze %dma_start3A_190 : memref<1x!tpu.dma_semaphore, #tpu.memory_space<semaphore_mem>> -> memref<!tpu.dma_semaphore, #tpu.memory_space<semaphore_mem>>
      %dma_start3A_192 = arith.constant 0 : i32
      %dma_start3A_193 = tpu.memref_slice %arg4[%add3A_181, %dma_start3A_192] : memref<524288x128xf32, #tpu.memory_space<hbm>> -> memref<128x128xf32, #tpu.memory_space<hbm>>
      %dma_start3A_194 = arith.constant 0 : i32
      %dma_start3A_195 = arith.constant 0 : i32
      %dma_start3A_196 = tpu.memref_slice %arg6[%dma_start3A_182, %dma_start3A_194, %dma_start3A_195] : memref<4x128x128xf32, #tpu.memory_space<vmem>> -> memref<1x128x128xf32, #tpu.memory_space<vmem>>
      %dma_start3A_197 = tpu.memref_squeeze %dma_start3A_196 : memref<1x128x128xf32, #tpu.memory_space<vmem>> -> memref<128x128xf32, #tpu.memory_space<vmem>>
      tpu.enqueue_dma source(%dma_start3A_197 : memref<128x128xf32, #tpu.memory_space<vmem>>) target(%dma_start3A_193 : memref<128x128xf32, #tpu.memory_space<hbm>>) target_semaphore(%dma_start3A_191 : memref<!tpu.dma_semaphore, #tpu.memory_space<semaphore_mem>>)
      %mul3A_198 = arith.constant 4 : i32
      %mul3A_199 = arith.muli %scan3A_5, %mul3A_198 : i32
      %add3A_200 = arith.constant 2 : i32
      %add3A_201 = arith.addi %mul3A_199, %add3A_200 : i32
      %mul3A_202 = arith.constant 16384 : i32
      %mul3A_203 = arith.muli %add3A, %mul3A_202 : i32
      %mul3A_204 = arith.constant 128 : i32
      %mul3A_205 = arith.muli %add3A_201, %mul3A_204 : i32
      %add3A_206 = arith.addi %mul3A_203, %mul3A_205 : i32
      %dma_start3A_207 = arith.constant 2 : i32
      %dma_start3A_208 = arith.constant 2 : i32
      %dma_start3A_209 = arith.constant 0 : i32
      %dma_start3A_210 = arith.constant 0 : i32
      %dma_start3A_211 = tpu.memref_slice %arg6[%dma_start3A_207, %dma_start3A_209, %dma_start3A_210] : memref<4x128x128xf32, #tpu.memory_space<vmem>> -> memref<1x128x128xf32, #tpu.memory_space<vmem>>
      %dma_start3A_212 = tpu.memref_squeeze %dma_start3A_211 : memref<1x128x128xf32, #tpu.memory_space<vmem>> -> memref<128x128xf32, #tpu.memory_space<vmem>>
      %dma_start3A_213 = arith.constant 0 : i32
      %dma_start3A_214 = tpu.memref_slice %arg4[%add3A_206, %dma_start3A_213] : memref<524288x128xf32, #tpu.memory_space<hbm>> -> memref<128x128xf32, #tpu.memory_space<hbm>>
      %dma_start3A_215 = tpu.memref_slice %arg8[%dma_start3A_208] : memref<4x!tpu.dma_semaphore, #tpu.memory_space<semaphore_mem>> -> memref<1x!tpu.dma_semaphore, #tpu.memory_space<semaphore_mem>>
      %dma_start3A_216 = tpu.memref_squeeze %dma_start3A_215 : memref<1x!tpu.dma_semaphore, #tpu.memory_space<semaphore_mem>> -> memref<!tpu.dma_semaphore, #tpu.memory_space<semaphore_mem>>
      %dma_start3A_217 = arith.constant 0 : i32
      %dma_start3A_218 = tpu.memref_slice %arg4[%add3A_206, %dma_start3A_217] : memref<524288x128xf32, #tpu.memory_space<hbm>> -> memref<128x128xf32, #tpu.memory_space<hbm>>
      %dma_start3A_219 = arith.constant 0 : i32
      %dma_start3A_220 = arith.constant 0 : i32
      %dma_start3A_221 = tpu.memref_slice %arg6[%dma_start3A_207, %dma_start3A_219, %dma_start3A_220] : memref<4x128x128xf32, #tpu.memory_space<vmem>> -> memref<1x128x128xf32, #tpu.memory_space<vmem>>
      %dma_start3A_222 = tpu.memref_squeeze %dma_start3A_221 : memref<1x128x128xf32, #tpu.memory_space<vmem>> -> memref<128x128xf32, #tpu.memory_space<vmem>>
      tpu.enqueue_dma source(%dma_start3A_222 : memref<128x128xf32, #tpu.memory_space<vmem>>) target(%dma_start3A_218 : memref<128x128xf32, #tpu.memory_space<hbm>>) target_semaphore(%dma_start3A_216 : memref<!tpu.dma_semaphore, #tpu.memory_space<semaphore_mem>>)
      %mul3A_223 = arith.constant 4 : i32
      %mul3A_224 = arith.muli %scan3A_5, %mul3A_223 : i32
      %add3A_225 = arith.constant 3 : i32
      %add3A_226 = arith.addi %mul3A_224, %add3A_225 : i32
      %mul3A_227 = arith.constant 16384 : i32
      %mul3A_228 = arith.muli %add3A, %mul3A_227 : i32
      %mul3A_229 = arith.constant 128 : i32
      %mul3A_230 = arith.muli %add3A_226, %mul3A_229 : i32
      %add3A_231 = arith.addi %mul3A_228, %mul3A_230 : i32
      %dma_start3A_232 = arith.constant 3 : i32
      %dma_start3A_233 = arith.constant 3 : i32
      %dma_start3A_234 = arith.constant 0 : i32
      %dma_start3A_235 = arith.constant 0 : i32
      %dma_start3A_236 = tpu.memref_slice %arg6[%dma_start3A_232, %dma_start3A_234, %dma_start3A_235] : memref<4x128x128xf32, #tpu.memory_space<vmem>> -> memref<1x128x128xf32, #tpu.memory_space<vmem>>
      %dma_start3A_237 = tpu.memref_squeeze %dma_start3A_236 : memref<1x128x128xf32, #tpu.memory_space<vmem>> -> memref<128x128xf32, #tpu.memory_space<vmem>>
      %dma_start3A_238 = arith.constant 0 : i32
      %dma_start3A_239 = tpu.memref_slice %arg4[%add3A_231, %dma_start3A_238] : memref<524288x128xf32, #tpu.memory_space<hbm>> -> memref<128x128xf32, #tpu.memory_space<hbm>>
      %dma_start3A_240 = tpu.memref_slice %arg8[%dma_start3A_233] : memref<4x!tpu.dma_semaphore, #tpu.memory_space<semaphore_mem>> -> memref<1x!tpu.dma_semaphore, #tpu.memory_space<semaphore_mem>>
      %dma_start3A_241 = tpu.memref_squeeze %dma_start3A_240 : memref<1x!tpu.dma_semaphore, #tpu.memory_space<semaphore_mem>> -> memref<!tpu.dma_semaphore, #tpu.memory_space<semaphore_mem>>
      %dma_start3A_242 = arith.constant 0 : i32
      %dma_start3A_243 = tpu.memref_slice %arg4[%add3A_231, %dma_start3A_242] : memref<524288x128xf32, #tpu.memory_space<hbm>> -> memref<128x128xf32, #tpu.memory_space<hbm>>
      %dma_start3A_244 = arith.constant 0 : i32
      %dma_start3A_245 = arith.constant 0 : i32
      %dma_start3A_246 = tpu.memref_slice %arg6[%dma_start3A_232, %dma_start3A_244, %dma_start3A_245] : memref<4x128x128xf32, #tpu.memory_space<vmem>> -> memref<1x128x128xf32, #tpu.memory_space<vmem>>
      %dma_start3A_247 = tpu.memref_squeeze %dma_start3A_246 : memref<1x128x128xf32, #tpu.memory_space<vmem>> -> memref<128x128xf32, #tpu.memory_space<vmem>>
      tpu.enqueue_dma source(%dma_start3A_247 : memref<128x128xf32, #tpu.memory_space<vmem>>) target(%dma_start3A_243 : memref<128x128xf32, #tpu.memory_space<hbm>>) target_semaphore(%dma_start3A_241 : memref<!tpu.dma_semaphore, #tpu.memory_space<semaphore_mem>>)
      %mul3A_248 = arith.constant 4 : i32
      %mul3A_249 = arith.muli %scan3A_5, %mul3A_248 : i32
      %add3A_250 = arith.constant 0 : i32
      %add3A_251 = arith.addi %mul3A_249, %add3A_250 : i32
      %mul3A_252 = arith.constant 16384 : i32
      %mul3A_253 = arith.muli %add3A, %mul3A_252 : i32
      %mul3A_254 = arith.constant 128 : i32
      %mul3A_255 = arith.muli %add3A_251, %mul3A_254 : i32
      %add3A_256 = arith.addi %mul3A_253, %mul3A_255 : i32
      %dma_wait3A_257 = arith.constant 0 : i32
      %dma_wait3A_258 = arith.constant 0 : i32
      %dma_wait3A_259 = arith.constant 0 : i32
      %dma_wait3A_260 = arith.constant 0 : i32
      %dma_wait3A_261 = tpu.memref_slice %arg6[%dma_wait3A_257, %dma_wait3A_259, %dma_wait3A_260] : memref<4x128x128xf32, #tpu.memory_space<vmem>> -> memref<1x128x128xf32, #tpu.memory_space<vmem>>
      %dma_wait3A_262 = tpu.memref_squeeze %dma_wait3A_261 : memref<1x128x128xf32, #tpu.memory_space<vmem>> -> memref<128x128xf32, #tpu.memory_space<vmem>>
      %dma_wait3A_263 = arith.constant 0 : i32
      %dma_wait3A_264 = tpu.memref_slice %arg4[%add3A_256, %dma_wait3A_263] : memref<524288x128xf32, #tpu.memory_space<hbm>> -> memref<128x128xf32, #tpu.memory_space<hbm>>
      %dma_wait3A_265 = tpu.memref_slice %arg8[%dma_wait3A_258] : memref<4x!tpu.dma_semaphore, #tpu.memory_space<semaphore_mem>> -> memref<1x!tpu.dma_semaphore, #tpu.memory_space<semaphore_mem>>
      %dma_wait3A_266 = tpu.memref_squeeze %dma_wait3A_265 : memref<1x!tpu.dma_semaphore, #tpu.memory_space<semaphore_mem>> -> memref<!tpu.dma_semaphore, #tpu.memory_space<semaphore_mem>>
      %dma_wait3A_267 = arith.constant 0 : i32
      %dma_wait3A_268 = tpu.memref_slice %arg4[%add3A_256, %dma_wait3A_267] : memref<524288x128xf32, #tpu.memory_space<hbm>> -> memref<128x128xf32, #tpu.memory_space<hbm>>
      %dma_wait3A_269 = arith.constant 0 : i32
      %dma_wait3A_270 = arith.constant 0 : i32
      %dma_wait3A_271 = tpu.memref_slice %arg6[%dma_wait3A_257, %dma_wait3A_269, %dma_wait3A_270] : memref<4x128x128xf32, #tpu.memory_space<vmem>> -> memref<1x128x128xf32, #tpu.memory_space<vmem>>
      %dma_wait3A_272 = tpu.memref_squeeze %dma_wait3A_271 : memref<1x128x128xf32, #tpu.memory_space<vmem>> -> memref<128x128xf32, #tpu.memory_space<vmem>>
      tpu.wait_dma2 semaphore(%dma_wait3A_266 : memref<!tpu.dma_semaphore, #tpu.memory_space<semaphore_mem>>) src(%dma_wait3A_272 : memref<128x128xf32, #tpu.memory_space<vmem>>) dst(%dma_wait3A_268 : memref<128x128xf32, #tpu.memory_space<hbm>>)
      %mul3A_273 = arith.constant 4 : i32
      %mul3A_274 = arith.muli %scan3A_5, %mul3A_273 : i32
      %add3A_275 = arith.constant 1 : i32
      %add3A_276 = arith.addi %mul3A_274, %add3A_275 : i32
      %mul3A_277 = arith.constant 16384 : i32
      %mul3A_278 = arith.muli %add3A, %mul3A_277 : i32
      %mul3A_279 = arith.constant 128 : i32
      %mul3A_280 = arith.muli %add3A_276, %mul3A_279 : i32
      %add3A_281 = arith.addi %mul3A_278, %mul3A_280 : i32
      %dma_wait3A_282 = arith.constant 1 : i32
      %dma_wait3A_283 = arith.constant 1 : i32
      %dma_wait3A_284 = arith.constant 0 : i32
      %dma_wait3A_285 = arith.constant 0 : i32
      %dma_wait3A_286 = tpu.memref_slice %arg6[%dma_wait3A_282, %dma_wait3A_284, %dma_wait3A_285] : memref<4x128x128xf32, #tpu.memory_space<vmem>> -> memref<1x128x128xf32, #tpu.memory_space<vmem>>
      %dma_wait3A_287 = tpu.memref_squeeze %dma_wait3A_286 : memref<1x128x128xf32, #tpu.memory_space<vmem>> -> memref<128x128xf32, #tpu.memory_space<vmem>>
      %dma_wait3A_288 = arith.constant 0 : i32
      %dma_wait3A_289 = tpu.memref_slice %arg4[%add3A_281, %dma_wait3A_288] : memref<524288x128xf32, #tpu.memory_space<hbm>> -> memref<128x128xf32, #tpu.memory_space<hbm>>
      %dma_wait3A_290 = tpu.memref_slice %arg8[%dma_wait3A_283] : memref<4x!tpu.dma_semaphore, #tpu.memory_space<semaphore_mem>> -> memref<1x!tpu.dma_semaphore, #tpu.memory_space<semaphore_mem>>
      %dma_wait3A_291 = tpu.memref_squeeze %dma_wait3A_290 : memref<1x!tpu.dma_semaphore, #tpu.memory_space<semaphore_mem>> -> memref<!tpu.dma_semaphore, #tpu.memory_space<semaphore_mem>>
      %dma_wait3A_292 = arith.constant 0 : i32
      %dma_wait3A_293 = tpu.memref_slice %arg4[%add3A_281, %dma_wait3A_292] : memref<524288x128xf32, #tpu.memory_space<hbm>> -> memref<128x128xf32, #tpu.memory_space<hbm>>
      %dma_wait3A_294 = arith.constant 0 : i32
      %dma_wait3A_295 = arith.constant 0 : i32
      %dma_wait3A_296 = tpu.memref_slice %arg6[%dma_wait3A_282, %dma_wait3A_294, %dma_wait3A_295] : memref<4x128x128xf32, #tpu.memory_space<vmem>> -> memref<1x128x128xf32, #tpu.memory_space<vmem>>
      %dma_wait3A_297 = tpu.memref_squeeze %dma_wait3A_296 : memref<1x128x128xf32, #tpu.memory_space<vmem>> -> memref<128x128xf32, #tpu.memory_space<vmem>>
      tpu.wait_dma2 semaphore(%dma_wait3A_291 : memref<!tpu.dma_semaphore, #tpu.memory_space<semaphore_mem>>) src(%dma_wait3A_297 : memref<128x128xf32, #tpu.memory_space<vmem>>) dst(%dma_wait3A_293 : memref<128x128xf32, #tpu.memory_space<hbm>>)
      %mul3A_298 = arith.constant 4 : i32
      %mul3A_299 = arith.muli %scan3A_5, %mul3A_298 : i32
      %add3A_300 = arith.constant 2 : i32
      %add3A_301 = arith.addi %mul3A_299, %add3A_300 : i32
      %mul3A_302 = arith.constant 16384 : i32
      %mul3A_303 = arith.muli %add3A, %mul3A_302 : i32
      %mul3A_304 = arith.constant 128 : i32
      %mul3A_305 = arith.muli %add3A_301, %mul3A_304 : i32
      %add3A_306 = arith.addi %mul3A_303, %mul3A_305 : i32
      %dma_wait3A_307 = arith.constant 2 : i32
      %dma_wait3A_308 = arith.constant 2 : i32
      %dma_wait3A_309 = arith.constant 0 : i32
      %dma_wait3A_310 = arith.constant 0 : i32
      %dma_wait3A_311 = tpu.memref_slice %arg6[%dma_wait3A_307, %dma_wait3A_309, %dma_wait3A_310] : memref<4x128x128xf32, #tpu.memory_space<vmem>> -> memref<1x128x128xf32, #tpu.memory_space<vmem>>
      %dma_wait3A_312 = tpu.memref_squeeze %dma_wait3A_311 : memref<1x128x128xf32, #tpu.memory_space<vmem>> -> memref<128x128xf32, #tpu.memory_space<vmem>>
      %dma_wait3A_313 = arith.constant 0 : i32
      %dma_wait3A_314 = tpu.memref_slice %arg4[%add3A_306, %dma_wait3A_313] : memref<524288x128xf32, #tpu.memory_space<hbm>> -> memref<128x128xf32, #tpu.memory_space<hbm>>
      %dma_wait3A_315 = tpu.memref_slice %arg8[%dma_wait3A_308] : memref<4x!tpu.dma_semaphore, #tpu.memory_space<semaphore_mem>> -> memref<1x!tpu.dma_semaphore, #tpu.memory_space<semaphore_mem>>
      %dma_wait3A_316 = tpu.memref_squeeze %dma_wait3A_315 : memref<1x!tpu.dma_semaphore, #tpu.memory_space<semaphore_mem>> -> memref<!tpu.dma_semaphore, #tpu.memory_space<semaphore_mem>>
      %dma_wait3A_317 = arith.constant 0 : i32
      %dma_wait3A_318 = tpu.memref_slice %arg4[%add3A_306, %dma_wait3A_317] : memref<524288x128xf32, #tpu.memory_space<hbm>> -> memref<128x128xf32, #tpu.memory_space<hbm>>
      %dma_wait3A_319 = arith.constant 0 : i32
      %dma_wait3A_320 = arith.constant 0 : i32
      %dma_wait3A_321 = tpu.memref_slice %arg6[%dma_wait3A_307, %dma_wait3A_319, %dma_wait3A_320] : memref<4x128x128xf32, #tpu.memory_space<vmem>> -> memref<1x128x128xf32, #tpu.memory_space<vmem>>
      %dma_wait3A_322 = tpu.memref_squeeze %dma_wait3A_321 : memref<1x128x128xf32, #tpu.memory_space<vmem>> -> memref<128x128xf32, #tpu.memory_space<vmem>>
      tpu.wait_dma2 semaphore(%dma_wait3A_316 : memref<!tpu.dma_semaphore, #tpu.memory_space<semaphore_mem>>) src(%dma_wait3A_322 : memref<128x128xf32, #tpu.memory_space<vmem>>) dst(%dma_wait3A_318 : memref<128x128xf32, #tpu.memory_space<hbm>>)
      %mul3A_323 = arith.constant 4 : i32
      %mul3A_324 = arith.muli %scan3A_5, %mul3A_323 : i32
      %add3A_325 = arith.constant 3 : i32
      %add3A_326 = arith.addi %mul3A_324, %add3A_325 : i32
      %mul3A_327 = arith.constant 16384 : i32
      %mul3A_328 = arith.muli %add3A, %mul3A_327 : i32
      %mul3A_329 = arith.constant 128 : i32
      %mul3A_330 = arith.muli %add3A_326, %mul3A_329 : i32
      %add3A_331 = arith.addi %mul3A_328, %mul3A_330 : i32
      %dma_wait3A_332 = arith.constant 3 : i32
      %dma_wait3A_333 = arith.constant 3 : i32
      %dma_wait3A_334 = arith.constant 0 : i32
      %dma_wait3A_335 = arith.constant 0 : i32
      %dma_wait3A_336 = tpu.memref_slice %arg6[%dma_wait3A_332, %dma_wait3A_334, %dma_wait3A_335] : memref<4x128x128xf32, #tpu.memory_space<vmem>> -> memref<1x128x128xf32, #tpu.memory_space<vmem>>
      %dma_wait3A_337 = tpu.memref_squeeze %dma_wait3A_336 : memref<1x128x128xf32, #tpu.memory_space<vmem>> -> memref<128x128xf32, #tpu.memory_space<vmem>>
      %dma_wait3A_338 = arith.constant 0 : i32
      %dma_wait3A_339 = tpu.memref_slice %arg4[%add3A_331, %dma_wait3A_338] : memref<524288x128xf32, #tpu.memory_space<hbm>> -> memref<128x128xf32, #tpu.memory_space<hbm>>
      %dma_wait3A_340 = tpu.memref_slice %arg8[%dma_wait3A_333] : memref<4x!tpu.dma_semaphore, #tpu.memory_space<semaphore_mem>> -> memref<1x!tpu.dma_semaphore, #tpu.memory_space<semaphore_mem>>
      %dma_wait3A_341 = tpu.memref_squeeze %dma_wait3A_340 : memref<1x!tpu.dma_semaphore, #tpu.memory_space<semaphore_mem>> -> memref<!tpu.dma_semaphore, #tpu.memory_space<semaphore_mem>>
      %dma_wait3A_342 = arith.constant 0 : i32
      %dma_wait3A_343 = tpu.memref_slice %arg4[%add3A_331, %dma_wait3A_342] : memref<524288x128xf32, #tpu.memory_space<hbm>> -> memref<128x128xf32, #tpu.memory_space<hbm>>
      %dma_wait3A_344 = arith.constant 0 : i32
      %dma_wait3A_345 = arith.constant 0 : i32
      %dma_wait3A_346 = tpu.memref_slice %arg6[%dma_wait3A_332, %dma_wait3A_344, %dma_wait3A_345] : memref<4x128x128xf32, #tpu.memory_space<vmem>> -> memref<1x128x128xf32, #tpu.memory_space<vmem>>
      %dma_wait3A_347 = tpu.memref_squeeze %dma_wait3A_346 : memref<1x128x128xf32, #tpu.memory_space<vmem>> -> memref<128x128xf32, #tpu.memory_space<vmem>>
      tpu.wait_dma2 semaphore(%dma_wait3A_341 : memref<!tpu.dma_semaphore, #tpu.memory_space<semaphore_mem>>) src(%dma_wait3A_347 : memref<128x128xf32, #tpu.memory_space<vmem>>) dst(%dma_wait3A_343 : memref<128x128xf32, #tpu.memory_space<hbm>>)
    }
    %scan3A_4 = arith.constant 32 : i32
    return
  }
}

#map = affine_map<(d0, d1) -> (0, 0)>
#map1 = affine_map<(d0, d1) -> (0, 0, 0)>
module attributes {stable_mosaic.version = 14 : i64} {
  func.func @_sc_gather_body(%arg0: i32, %arg1: i32, %arg2: memref<32768x128xf32, #tpu.memory_space<hbm>>, %arg3: memref<32x128x128xi32, #tpu.memory_space<hbm>>, %arg4: memref<524288x128xf32, #tpu.memory_space<hbm>>, %arg5: memref<128x128xi32, #tpu.memory_space<vmem>>, %arg6: memref<4x128x128xf32, #tpu.memory_space<vmem>>, %arg7: memref<4x!tpu.dma_semaphore, #tpu.memory_space<semaphore_mem>>, %arg8: memref<4x!tpu.dma_semaphore, #tpu.memory_space<semaphore_mem>>) attributes {dimension_semantics = [#tpu.dimension_semantics<core_parallel>, #tpu.dimension_semantics<subcore_parallel>], iteration_bounds = array<i64: 2, 16>, scalar_prefetch = 0 : i64, scratch_operands = 4 : i64, tpu.core_type = #tpu.core_type<sc_vector_subcore>, window_params = [{transform_indices = #map}, {transform_indices = #map1}, {transform_indices = #map}]} {
    %mul3A = arith.constant 2 : i32
    %mul3A_0 = arith.muli %arg1, %mul3A : i32
    %add3A = arith.addi %mul3A_0, %arg0 : i32
    "tpu.region"() ({
      %run_scoped3A = tpu.sem_alloc : memref<!tpu.dma_semaphore, #tpu.memory_space<semaphore_mem>>
      %dma_start3A = arith.constant 0 : i32
      %dma_start3A_5 = arith.constant 0 : i32
      %dma_start3A_6 = tpu.memref_slice %arg3[%add3A, %dma_start3A, %dma_start3A_5] : memref<32x128x128xi32, #tpu.memory_space<hbm>> -> memref<1x128x128xi32, #tpu.memory_space<hbm>>
      %dma_start3A_7 = tpu.memref_squeeze %dma_start3A_6 : memref<1x128x128xi32, #tpu.memory_space<hbm>> -> memref<128x128xi32, #tpu.memory_space<hbm>>
      %dma_start3A_8 = arith.constant 0 : i32
      %dma_start3A_9 = arith.constant 0 : i32
      %dma_start3A_10 = tpu.memref_slice %arg3[%add3A, %dma_start3A_8, %dma_start3A_9] : memref<32x128x128xi32, #tpu.memory_space<hbm>> -> memref<1x128x128xi32, #tpu.memory_space<hbm>>
      %dma_start3A_11 = tpu.memref_squeeze %dma_start3A_10 : memref<1x128x128xi32, #tpu.memory_space<hbm>> -> memref<128x128xi32, #tpu.memory_space<hbm>>
      tpu.enqueue_dma source(%dma_start3A_11 : memref<128x128xi32, #tpu.memory_space<hbm>>) target(%arg5 : memref<128x128xi32, #tpu.memory_space<vmem>>) target_semaphore(%run_scoped3A : memref<!tpu.dma_semaphore, #tpu.memory_space<semaphore_mem>>)
      %dma_wait3A = arith.constant 0 : i32
      %dma_wait3A_12 = arith.constant 0 : i32
      %dma_wait3A_13 = tpu.memref_slice %arg3[%add3A, %dma_wait3A, %dma_wait3A_12] : memref<32x128x128xi32, #tpu.memory_space<hbm>> -> memref<1x128x128xi32, #tpu.memory_space<hbm>>
      %dma_wait3A_14 = tpu.memref_squeeze %dma_wait3A_13 : memref<1x128x128xi32, #tpu.memory_space<hbm>> -> memref<128x128xi32, #tpu.memory_space<hbm>>
      %dma_wait3A_15 = arith.constant 0 : i32
      %dma_wait3A_16 = arith.constant 0 : i32
      %dma_wait3A_17 = tpu.memref_slice %arg3[%add3A, %dma_wait3A_15, %dma_wait3A_16] : memref<32x128x128xi32, #tpu.memory_space<hbm>> -> memref<1x128x128xi32, #tpu.memory_space<hbm>>
      %dma_wait3A_18 = tpu.memref_squeeze %dma_wait3A_17 : memref<1x128x128xi32, #tpu.memory_space<hbm>> -> memref<128x128xi32, #tpu.memory_space<hbm>>
      tpu.wait_dma2 semaphore(%run_scoped3A : memref<!tpu.dma_semaphore, #tpu.memory_space<semaphore_mem>>) src(%dma_wait3A_18 : memref<128x128xi32, #tpu.memory_space<hbm>>) dst(%arg5 : memref<128x128xi32, #tpu.memory_space<vmem>>)
      tpu.yield
    }) : () -> ()
    %scan3A = arith.constant 0 : i32
    %scan3A_1 = arith.constant 32 : i32
    %scan3A_2 = arith.addi %scan3A, %scan3A_1 : i32
    %scan3A_3 = arith.constant 1 : i32
    scf.for %scan3A_5 = %scan3A to %scan3A_2 step %scan3A_3  : i32 {
      %mul3A_6 = arith.constant 4 : i32
      %mul3A_7 = arith.muli %scan3A_5, %mul3A_6 : i32
      %add3A_8 = arith.constant 0 : i32
      %add3A_9 = arith.addi %mul3A_7, %add3A_8 : i32
      %dma_start3A = arith.constant 0 : i32
      %dma_start3A_10 = arith.constant 0 : i32
      %dma_start3A_11 = arith.constant 0 : i32
      %dma_start3A_12 = arith.constant 0 : i32
      %dma_start3A_13 = tpu.memref_slice %arg6[%dma_start3A, %dma_start3A_11, %dma_start3A_12] : memref<4x128x128xf32, #tpu.memory_space<vmem>> -> memref<1x128x128xf32, #tpu.memory_space<vmem>>
      %dma_start3A_14 = tpu.memref_squeeze %dma_start3A_13 : memref<1x128x128xf32, #tpu.memory_space<vmem>> -> memref<128x128xf32, #tpu.memory_space<vmem>>
      %dma_start3A_15 = arith.constant 0 : i32
      %dma_start3A_16 = tpu.memref_slice %arg5[%add3A_9, %dma_start3A_15] : memref<128x128xi32, #tpu.memory_space<vmem>> -> memref<1x128xi32, #tpu.memory_space<vmem>>
      %dma_start3A_17 = tpu.memref_squeeze %dma_start3A_16 : memref<1x128xi32, #tpu.memory_space<vmem>> -> memref<128xi32, #tpu.memory_space<vmem>>
      %dma_start3A_18 = arith.constant 0 : i32
      %dma_start3A_19 = arith.constant 0 : i32
      %dma_start3A_20 = tpu.memref_slice %arg2[%dma_start3A_18, %dma_start3A_19] : memref<32768x128xf32, #tpu.memory_space<hbm>> -> memref<32768x128xf32, #tpu.memory_space<hbm>>
      %dma_start3A_21 = tpu.memref_slice %arg7[%dma_start3A_10] : memref<4x!tpu.dma_semaphore, #tpu.memory_space<semaphore_mem>> -> memref<1x!tpu.dma_semaphore, #tpu.memory_space<semaphore_mem>>
      %dma_start3A_22 = tpu.memref_squeeze %dma_start3A_21 : memref<1x!tpu.dma_semaphore, #tpu.memory_space<semaphore_mem>> -> memref<!tpu.dma_semaphore, #tpu.memory_space<semaphore_mem>>
      tpu.enqueue_indirect_dma source(%dma_start3A_20 : memref<32768x128xf32, #tpu.memory_space<hbm>>) target(%dma_start3A_14 : memref<128x128xf32, #tpu.memory_space<vmem>>) offsets(%dma_start3A_17 : memref<128xi32, #tpu.memory_space<vmem>>) semaphore(%dma_start3A_22 : memref<!tpu.dma_semaphore, #tpu.memory_space<semaphore_mem>>)
      %mul3A_23 = arith.constant 4 : i32
      %mul3A_24 = arith.muli %scan3A_5, %mul3A_23 : i32
      %add3A_25 = arith.constant 1 : i32
      %add3A_26 = arith.addi %mul3A_24, %add3A_25 : i32
      %dma_start3A_27 = arith.constant 1 : i32
      %dma_start3A_28 = arith.constant 1 : i32
      %dma_start3A_29 = arith.constant 0 : i32
      %dma_start3A_30 = arith.constant 0 : i32
      %dma_start3A_31 = tpu.memref_slice %arg6[%dma_start3A_27, %dma_start3A_29, %dma_start3A_30] : memref<4x128x128xf32, #tpu.memory_space<vmem>> -> memref<1x128x128xf32, #tpu.memory_space<vmem>>
      %dma_start3A_32 = tpu.memref_squeeze %dma_start3A_31 : memref<1x128x128xf32, #tpu.memory_space<vmem>> -> memref<128x128xf32, #tpu.memory_space<vmem>>
      %dma_start3A_33 = arith.constant 0 : i32
      %dma_start3A_34 = tpu.memref_slice %arg5[%add3A_26, %dma_start3A_33] : memref<128x128xi32, #tpu.memory_space<vmem>> -> memref<1x128xi32, #tpu.memory_space<vmem>>
      %dma_start3A_35 = tpu.memref_squeeze %dma_start3A_34 : memref<1x128xi32, #tpu.memory_space<vmem>> -> memref<128xi32, #tpu.memory_space<vmem>>
      %dma_start3A_36 = arith.constant 0 : i32
      %dma_start3A_37 = arith.constant 0 : i32
      %dma_start3A_38 = tpu.memref_slice %arg2[%dma_start3A_36, %dma_start3A_37] : memref<32768x128xf32, #tpu.memory_space<hbm>> -> memref<32768x128xf32, #tpu.memory_space<hbm>>
      %dma_start3A_39 = tpu.memref_slice %arg7[%dma_start3A_28] : memref<4x!tpu.dma_semaphore, #tpu.memory_space<semaphore_mem>> -> memref<1x!tpu.dma_semaphore, #tpu.memory_space<semaphore_mem>>
      %dma_start3A_40 = tpu.memref_squeeze %dma_start3A_39 : memref<1x!tpu.dma_semaphore, #tpu.memory_space<semaphore_mem>> -> memref<!tpu.dma_semaphore, #tpu.memory_space<semaphore_mem>>
      tpu.enqueue_indirect_dma source(%dma_start3A_38 : memref<32768x128xf32, #tpu.memory_space<hbm>>) target(%dma_start3A_32 : memref<128x128xf32, #tpu.memory_space<vmem>>) offsets(%dma_start3A_35 : memref<128xi32, #tpu.memory_space<vmem>>) semaphore(%dma_start3A_40 : memref<!tpu.dma_semaphore, #tpu.memory_space<semaphore_mem>>)
      %mul3A_41 = arith.constant 4 : i32
      %mul3A_42 = arith.muli %scan3A_5, %mul3A_41 : i32
      %add3A_43 = arith.constant 2 : i32
      %add3A_44 = arith.addi %mul3A_42, %add3A_43 : i32
      %dma_start3A_45 = arith.constant 2 : i32
      %dma_start3A_46 = arith.constant 2 : i32
      %dma_start3A_47 = arith.constant 0 : i32
      %dma_start3A_48 = arith.constant 0 : i32
      %dma_start3A_49 = tpu.memref_slice %arg6[%dma_start3A_45, %dma_start3A_47, %dma_start3A_48] : memref<4x128x128xf32, #tpu.memory_space<vmem>> -> memref<1x128x128xf32, #tpu.memory_space<vmem>>
      %dma_start3A_50 = tpu.memref_squeeze %dma_start3A_49 : memref<1x128x128xf32, #tpu.memory_space<vmem>> -> memref<128x128xf32, #tpu.memory_space<vmem>>
      %dma_start3A_51 = arith.constant 0 : i32
      %dma_start3A_52 = tpu.memref_slice %arg5[%add3A_44, %dma_start3A_51] : memref<128x128xi32, #tpu.memory_space<vmem>> -> memref<1x128xi32, #tpu.memory_space<vmem>>
      %dma_start3A_53 = tpu.memref_squeeze %dma_start3A_52 : memref<1x128xi32, #tpu.memory_space<vmem>> -> memref<128xi32, #tpu.memory_space<vmem>>
      %dma_start3A_54 = arith.constant 0 : i32
      %dma_start3A_55 = arith.constant 0 : i32
      %dma_start3A_56 = tpu.memref_slice %arg2[%dma_start3A_54, %dma_start3A_55] : memref<32768x128xf32, #tpu.memory_space<hbm>> -> memref<32768x128xf32, #tpu.memory_space<hbm>>
      %dma_start3A_57 = tpu.memref_slice %arg7[%dma_start3A_46] : memref<4x!tpu.dma_semaphore, #tpu.memory_space<semaphore_mem>> -> memref<1x!tpu.dma_semaphore, #tpu.memory_space<semaphore_mem>>
      %dma_start3A_58 = tpu.memref_squeeze %dma_start3A_57 : memref<1x!tpu.dma_semaphore, #tpu.memory_space<semaphore_mem>> -> memref<!tpu.dma_semaphore, #tpu.memory_space<semaphore_mem>>
      tpu.enqueue_indirect_dma source(%dma_start3A_56 : memref<32768x128xf32, #tpu.memory_space<hbm>>) target(%dma_start3A_50 : memref<128x128xf32, #tpu.memory_space<vmem>>) offsets(%dma_start3A_53 : memref<128xi32, #tpu.memory_space<vmem>>) semaphore(%dma_start3A_58 : memref<!tpu.dma_semaphore, #tpu.memory_space<semaphore_mem>>)
      %mul3A_59 = arith.constant 4 : i32
      %mul3A_60 = arith.muli %scan3A_5, %mul3A_59 : i32
      %add3A_61 = arith.constant 3 : i32
      %add3A_62 = arith.addi %mul3A_60, %add3A_61 : i32
      %dma_start3A_63 = arith.constant 3 : i32
      %dma_start3A_64 = arith.constant 3 : i32
      %dma_start3A_65 = arith.constant 0 : i32
      %dma_start3A_66 = arith.constant 0 : i32
      %dma_start3A_67 = tpu.memref_slice %arg6[%dma_start3A_63, %dma_start3A_65, %dma_start3A_66] : memref<4x128x128xf32, #tpu.memory_space<vmem>> -> memref<1x128x128xf32, #tpu.memory_space<vmem>>
      %dma_start3A_68 = tpu.memref_squeeze %dma_start3A_67 : memref<1x128x128xf32, #tpu.memory_space<vmem>> -> memref<128x128xf32, #tpu.memory_space<vmem>>
      %dma_start3A_69 = arith.constant 0 : i32
      %dma_start3A_70 = tpu.memref_slice %arg5[%add3A_62, %dma_start3A_69] : memref<128x128xi32, #tpu.memory_space<vmem>> -> memref<1x128xi32, #tpu.memory_space<vmem>>
      %dma_start3A_71 = tpu.memref_squeeze %dma_start3A_70 : memref<1x128xi32, #tpu.memory_space<vmem>> -> memref<128xi32, #tpu.memory_space<vmem>>
      %dma_start3A_72 = arith.constant 0 : i32
      %dma_start3A_73 = arith.constant 0 : i32
      %dma_start3A_74 = tpu.memref_slice %arg2[%dma_start3A_72, %dma_start3A_73] : memref<32768x128xf32, #tpu.memory_space<hbm>> -> memref<32768x128xf32, #tpu.memory_space<hbm>>
      %dma_start3A_75 = tpu.memref_slice %arg7[%dma_start3A_64] : memref<4x!tpu.dma_semaphore, #tpu.memory_space<semaphore_mem>> -> memref<1x!tpu.dma_semaphore, #tpu.memory_space<semaphore_mem>>
      %dma_start3A_76 = tpu.memref_squeeze %dma_start3A_75 : memref<1x!tpu.dma_semaphore, #tpu.memory_space<semaphore_mem>> -> memref<!tpu.dma_semaphore, #tpu.memory_space<semaphore_mem>>
      tpu.enqueue_indirect_dma source(%dma_start3A_74 : memref<32768x128xf32, #tpu.memory_space<hbm>>) target(%dma_start3A_68 : memref<128x128xf32, #tpu.memory_space<vmem>>) offsets(%dma_start3A_71 : memref<128xi32, #tpu.memory_space<vmem>>) semaphore(%dma_start3A_76 : memref<!tpu.dma_semaphore, #tpu.memory_space<semaphore_mem>>)
      %mul3A_77 = arith.constant 4 : i32
      %mul3A_78 = arith.muli %scan3A_5, %mul3A_77 : i32
      %add3A_79 = arith.constant 0 : i32
      %add3A_80 = arith.addi %mul3A_78, %add3A_79 : i32
      %dma_wait3A = arith.constant 0 : i32
      %dma_wait3A_81 = arith.constant 0 : i32
      %dma_wait3A_82 = arith.constant 0 : i32
      %dma_wait3A_83 = arith.constant 0 : i32
      %dma_wait3A_84 = tpu.memref_slice %arg6[%dma_wait3A, %dma_wait3A_82, %dma_wait3A_83] : memref<4x128x128xf32, #tpu.memory_space<vmem>> -> memref<1x128x128xf32, #tpu.memory_space<vmem>>
      %dma_wait3A_85 = tpu.memref_squeeze %dma_wait3A_84 : memref<1x128x128xf32, #tpu.memory_space<vmem>> -> memref<128x128xf32, #tpu.memory_space<vmem>>
      %dma_wait3A_86 = arith.constant 0 : i32
      %dma_wait3A_87 = tpu.memref_slice %arg5[%add3A_80, %dma_wait3A_86] : memref<128x128xi32, #tpu.memory_space<vmem>> -> memref<1x128xi32, #tpu.memory_space<vmem>>
      %dma_wait3A_88 = tpu.memref_squeeze %dma_wait3A_87 : memref<1x128xi32, #tpu.memory_space<vmem>> -> memref<128xi32, #tpu.memory_space<vmem>>
      %dma_wait3A_89 = arith.constant 0 : i32
      %dma_wait3A_90 = arith.constant 0 : i32
      %dma_wait3A_91 = tpu.memref_slice %arg2[%dma_wait3A_89, %dma_wait3A_90] : memref<32768x128xf32, #tpu.memory_space<hbm>> -> memref<32768x128xf32, #tpu.memory_space<hbm>>
      %dma_wait3A_92 = tpu.memref_slice %arg7[%dma_wait3A_81] : memref<4x!tpu.dma_semaphore, #tpu.memory_space<semaphore_mem>> -> memref<1x!tpu.dma_semaphore, #tpu.memory_space<semaphore_mem>>
      %dma_wait3A_93 = tpu.memref_squeeze %dma_wait3A_92 : memref<1x!tpu.dma_semaphore, #tpu.memory_space<semaphore_mem>> -> memref<!tpu.dma_semaphore, #tpu.memory_space<semaphore_mem>>
      tpu.wait_indirect_dma semaphore(%dma_wait3A_93 : memref<!tpu.dma_semaphore, #tpu.memory_space<semaphore_mem>>) src(%dma_wait3A_91 : memref<32768x128xf32, #tpu.memory_space<hbm>>) dst(%dma_wait3A_85 : memref<128x128xf32, #tpu.memory_space<vmem>>)
      %mul3A_94 = arith.constant 4 : i32
      %mul3A_95 = arith.muli %scan3A_5, %mul3A_94 : i32
      %add3A_96 = arith.constant 1 : i32
      %add3A_97 = arith.addi %mul3A_95, %add3A_96 : i32
      %dma_wait3A_98 = arith.constant 1 : i32
      %dma_wait3A_99 = arith.constant 1 : i32
      %dma_wait3A_100 = arith.constant 0 : i32
      %dma_wait3A_101 = arith.constant 0 : i32
      %dma_wait3A_102 = tpu.memref_slice %arg6[%dma_wait3A_98, %dma_wait3A_100, %dma_wait3A_101] : memref<4x128x128xf32, #tpu.memory_space<vmem>> -> memref<1x128x128xf32, #tpu.memory_space<vmem>>
      %dma_wait3A_103 = tpu.memref_squeeze %dma_wait3A_102 : memref<1x128x128xf32, #tpu.memory_space<vmem>> -> memref<128x128xf32, #tpu.memory_space<vmem>>
      %dma_wait3A_104 = arith.constant 0 : i32
      %dma_wait3A_105 = tpu.memref_slice %arg5[%add3A_97, %dma_wait3A_104] : memref<128x128xi32, #tpu.memory_space<vmem>> -> memref<1x128xi32, #tpu.memory_space<vmem>>
      %dma_wait3A_106 = tpu.memref_squeeze %dma_wait3A_105 : memref<1x128xi32, #tpu.memory_space<vmem>> -> memref<128xi32, #tpu.memory_space<vmem>>
      %dma_wait3A_107 = arith.constant 0 : i32
      %dma_wait3A_108 = arith.constant 0 : i32
      %dma_wait3A_109 = tpu.memref_slice %arg2[%dma_wait3A_107, %dma_wait3A_108] : memref<32768x128xf32, #tpu.memory_space<hbm>> -> memref<32768x128xf32, #tpu.memory_space<hbm>>
      %dma_wait3A_110 = tpu.memref_slice %arg7[%dma_wait3A_99] : memref<4x!tpu.dma_semaphore, #tpu.memory_space<semaphore_mem>> -> memref<1x!tpu.dma_semaphore, #tpu.memory_space<semaphore_mem>>
      %dma_wait3A_111 = tpu.memref_squeeze %dma_wait3A_110 : memref<1x!tpu.dma_semaphore, #tpu.memory_space<semaphore_mem>> -> memref<!tpu.dma_semaphore, #tpu.memory_space<semaphore_mem>>
      tpu.wait_indirect_dma semaphore(%dma_wait3A_111 : memref<!tpu.dma_semaphore, #tpu.memory_space<semaphore_mem>>) src(%dma_wait3A_109 : memref<32768x128xf32, #tpu.memory_space<hbm>>) dst(%dma_wait3A_103 : memref<128x128xf32, #tpu.memory_space<vmem>>)
      %mul3A_112 = arith.constant 4 : i32
      %mul3A_113 = arith.muli %scan3A_5, %mul3A_112 : i32
      %add3A_114 = arith.constant 2 : i32
      %add3A_115 = arith.addi %mul3A_113, %add3A_114 : i32
      %dma_wait3A_116 = arith.constant 2 : i32
      %dma_wait3A_117 = arith.constant 2 : i32
      %dma_wait3A_118 = arith.constant 0 : i32
      %dma_wait3A_119 = arith.constant 0 : i32
      %dma_wait3A_120 = tpu.memref_slice %arg6[%dma_wait3A_116, %dma_wait3A_118, %dma_wait3A_119] : memref<4x128x128xf32, #tpu.memory_space<vmem>> -> memref<1x128x128xf32, #tpu.memory_space<vmem>>
      %dma_wait3A_121 = tpu.memref_squeeze %dma_wait3A_120 : memref<1x128x128xf32, #tpu.memory_space<vmem>> -> memref<128x128xf32, #tpu.memory_space<vmem>>
      %dma_wait3A_122 = arith.constant 0 : i32
      %dma_wait3A_123 = tpu.memref_slice %arg5[%add3A_115, %dma_wait3A_122] : memref<128x128xi32, #tpu.memory_space<vmem>> -> memref<1x128xi32, #tpu.memory_space<vmem>>
      %dma_wait3A_124 = tpu.memref_squeeze %dma_wait3A_123 : memref<1x128xi32, #tpu.memory_space<vmem>> -> memref<128xi32, #tpu.memory_space<vmem>>
      %dma_wait3A_125 = arith.constant 0 : i32
      %dma_wait3A_126 = arith.constant 0 : i32
      %dma_wait3A_127 = tpu.memref_slice %arg2[%dma_wait3A_125, %dma_wait3A_126] : memref<32768x128xf32, #tpu.memory_space<hbm>> -> memref<32768x128xf32, #tpu.memory_space<hbm>>
      %dma_wait3A_128 = tpu.memref_slice %arg7[%dma_wait3A_117] : memref<4x!tpu.dma_semaphore, #tpu.memory_space<semaphore_mem>> -> memref<1x!tpu.dma_semaphore, #tpu.memory_space<semaphore_mem>>
      %dma_wait3A_129 = tpu.memref_squeeze %dma_wait3A_128 : memref<1x!tpu.dma_semaphore, #tpu.memory_space<semaphore_mem>> -> memref<!tpu.dma_semaphore, #tpu.memory_space<semaphore_mem>>
      tpu.wait_indirect_dma semaphore(%dma_wait3A_129 : memref<!tpu.dma_semaphore, #tpu.memory_space<semaphore_mem>>) src(%dma_wait3A_127 : memref<32768x128xf32, #tpu.memory_space<hbm>>) dst(%dma_wait3A_121 : memref<128x128xf32, #tpu.memory_space<vmem>>)
      %mul3A_130 = arith.constant 4 : i32
      %mul3A_131 = arith.muli %scan3A_5, %mul3A_130 : i32
      %add3A_132 = arith.constant 3 : i32
      %add3A_133 = arith.addi %mul3A_131, %add3A_132 : i32
      %dma_wait3A_134 = arith.constant 3 : i32
      %dma_wait3A_135 = arith.constant 3 : i32
      %dma_wait3A_136 = arith.constant 0 : i32
      %dma_wait3A_137 = arith.constant 0 : i32
      %dma_wait3A_138 = tpu.memref_slice %arg6[%dma_wait3A_134, %dma_wait3A_136, %dma_wait3A_137] : memref<4x128x128xf32, #tpu.memory_space<vmem>> -> memref<1x128x128xf32, #tpu.memory_space<vmem>>
      %dma_wait3A_139 = tpu.memref_squeeze %dma_wait3A_138 : memref<1x128x128xf32, #tpu.memory_space<vmem>> -> memref<128x128xf32, #tpu.memory_space<vmem>>
      %dma_wait3A_140 = arith.constant 0 : i32
      %dma_wait3A_141 = tpu.memref_slice %arg5[%add3A_133, %dma_wait3A_140] : memref<128x128xi32, #tpu.memory_space<vmem>> -> memref<1x128xi32, #tpu.memory_space<vmem>>
      %dma_wait3A_142 = tpu.memref_squeeze %dma_wait3A_141 : memref<1x128xi32, #tpu.memory_space<vmem>> -> memref<128xi32, #tpu.memory_space<vmem>>
      %dma_wait3A_143 = arith.constant 0 : i32
      %dma_wait3A_144 = arith.constant 0 : i32
      %dma_wait3A_145 = tpu.memref_slice %arg2[%dma_wait3A_143, %dma_wait3A_144] : memref<32768x128xf32, #tpu.memory_space<hbm>> -> memref<32768x128xf32, #tpu.memory_space<hbm>>
      %dma_wait3A_146 = tpu.memref_slice %arg7[%dma_wait3A_135] : memref<4x!tpu.dma_semaphore, #tpu.memory_space<semaphore_mem>> -> memref<1x!tpu.dma_semaphore, #tpu.memory_space<semaphore_mem>>
      %dma_wait3A_147 = tpu.memref_squeeze %dma_wait3A_146 : memref<1x!tpu.dma_semaphore, #tpu.memory_space<semaphore_mem>> -> memref<!tpu.dma_semaphore, #tpu.memory_space<semaphore_mem>>
      tpu.wait_indirect_dma semaphore(%dma_wait3A_147 : memref<!tpu.dma_semaphore, #tpu.memory_space<semaphore_mem>>) src(%dma_wait3A_145 : memref<32768x128xf32, #tpu.memory_space<hbm>>) dst(%dma_wait3A_139 : memref<128x128xf32, #tpu.memory_space<vmem>>)
      %mul3A_148 = arith.constant 4 : i32
      %mul3A_149 = arith.muli %scan3A_5, %mul3A_148 : i32
      %add3A_150 = arith.constant 0 : i32
      %add3A_151 = arith.addi %mul3A_149, %add3A_150 : i32
      %mul3A_152 = arith.constant 16384 : i32
      %mul3A_153 = arith.muli %add3A, %mul3A_152 : i32
      %mul3A_154 = arith.constant 128 : i32
      %mul3A_155 = arith.muli %add3A_151, %mul3A_154 : i32
      %add3A_156 = arith.addi %mul3A_153, %mul3A_155 : i32
      %dma_start3A_157 = arith.constant 0 : i32
      %dma_start3A_158 = arith.constant 0 : i32
      %dma_start3A_159 = arith.constant 0 : i32
      %dma_start3A_160 = arith.constant 0 : i32
      %dma_start3A_161 = tpu.memref_slice %arg6[%dma_start3A_157, %dma_start3A_159, %dma_start3A_160] : memref<4x128x128xf32, #tpu.memory_space<vmem>> -> memref<1x128x128xf32, #tpu.memory_space<vmem>>
      %dma_start3A_162 = tpu.memref_squeeze %dma_start3A_161 : memref<1x128x128xf32, #tpu.memory_space<vmem>> -> memref<128x128xf32, #tpu.memory_space<vmem>>
      %dma_start3A_163 = arith.constant 0 : i32
      %dma_start3A_164 = tpu.memref_slice %arg4[%add3A_156, %dma_start3A_163] : memref<524288x128xf32, #tpu.memory_space<hbm>> -> memref<128x128xf32, #tpu.memory_space<hbm>>
      %dma_start3A_165 = tpu.memref_slice %arg8[%dma_start3A_158] : memref<4x!tpu.dma_semaphore, #tpu.memory_space<semaphore_mem>> -> memref<1x!tpu.dma_semaphore, #tpu.memory_space<semaphore_mem>>
      %dma_start3A_166 = tpu.memref_squeeze %dma_start3A_165 : memref<1x!tpu.dma_semaphore, #tpu.memory_space<semaphore_mem>> -> memref<!tpu.dma_semaphore, #tpu.memory_space<semaphore_mem>>
      %dma_start3A_167 = arith.constant 0 : i32
      %dma_start3A_168 = tpu.memref_slice %arg4[%add3A_156, %dma_start3A_167] : memref<524288x128xf32, #tpu.memory_space<hbm>> -> memref<128x128xf32, #tpu.memory_space<hbm>>
      %dma_start3A_169 = arith.constant 0 : i32
      %dma_start3A_170 = arith.constant 0 : i32
      %dma_start3A_171 = tpu.memref_slice %arg6[%dma_start3A_157, %dma_start3A_169, %dma_start3A_170] : memref<4x128x128xf32, #tpu.memory_space<vmem>> -> memref<1x128x128xf32, #tpu.memory_space<vmem>>
      %dma_start3A_172 = tpu.memref_squeeze %dma_start3A_171 : memref<1x128x128xf32, #tpu.memory_space<vmem>> -> memref<128x128xf32, #tpu.memory_space<vmem>>
      tpu.enqueue_dma source(%dma_start3A_172 : memref<128x128xf32, #tpu.memory_space<vmem>>) target(%dma_start3A_168 : memref<128x128xf32, #tpu.memory_space<hbm>>) target_semaphore(%dma_start3A_166 : memref<!tpu.dma_semaphore, #tpu.memory_space<semaphore_mem>>)
      %mul3A_173 = arith.constant 4 : i32
      %mul3A_174 = arith.muli %scan3A_5, %mul3A_173 : i32
      %add3A_175 = arith.constant 1 : i32
      %add3A_176 = arith.addi %mul3A_174, %add3A_175 : i32
      %mul3A_177 = arith.constant 16384 : i32
      %mul3A_178 = arith.muli %add3A, %mul3A_177 : i32
      %mul3A_179 = arith.constant 128 : i32
      %mul3A_180 = arith.muli %add3A_176, %mul3A_179 : i32
      %add3A_181 = arith.addi %mul3A_178, %mul3A_180 : i32
      %dma_start3A_182 = arith.constant 1 : i32
      %dma_start3A_183 = arith.constant 1 : i32
      %dma_start3A_184 = arith.constant 0 : i32
      %dma_start3A_185 = arith.constant 0 : i32
      %dma_start3A_186 = tpu.memref_slice %arg6[%dma_start3A_182, %dma_start3A_184, %dma_start3A_185] : memref<4x128x128xf32, #tpu.memory_space<vmem>> -> memref<1x128x128xf32, #tpu.memory_space<vmem>>
      %dma_start3A_187 = tpu.memref_squeeze %dma_start3A_186 : memref<1x128x128xf32, #tpu.memory_space<vmem>> -> memref<128x128xf32, #tpu.memory_space<vmem>>
      %dma_start3A_188 = arith.constant 0 : i32
      %dma_start3A_189 = tpu.memref_slice %arg4[%add3A_181, %dma_start3A_188] : memref<524288x128xf32, #tpu.memory_space<hbm>> -> memref<128x128xf32, #tpu.memory_space<hbm>>
      %dma_start3A_190 = tpu.memref_slice %arg8[%dma_start3A_183] : memref<4x!tpu.dma_semaphore, #tpu.memory_space<semaphore_mem>> -> memref<1x!tpu.dma_semaphore, #tpu.memory_space<semaphore_mem>>
      %dma_start3A_191 = tpu.memref_squeeze %dma_start3A_190 : memref<1x!tpu.dma_semaphore, #tpu.memory_space<semaphore_mem>> -> memref<!tpu.dma_semaphore, #tpu.memory_space<semaphore_mem>>
      %dma_start3A_192 = arith.constant 0 : i32
      %dma_start3A_193 = tpu.memref_slice %arg4[%add3A_181, %dma_start3A_192] : memref<524288x128xf32, #tpu.memory_space<hbm>> -> memref<128x128xf32, #tpu.memory_space<hbm>>
      %dma_start3A_194 = arith.constant 0 : i32
      %dma_start3A_195 = arith.constant 0 : i32
      %dma_start3A_196 = tpu.memref_slice %arg6[%dma_start3A_182, %dma_start3A_194, %dma_start3A_195] : memref<4x128x128xf32, #tpu.memory_space<vmem>> -> memref<1x128x128xf32, #tpu.memory_space<vmem>>
      %dma_start3A_197 = tpu.memref_squeeze %dma_start3A_196 : memref<1x128x128xf32, #tpu.memory_space<vmem>> -> memref<128x128xf32, #tpu.memory_space<vmem>>
      tpu.enqueue_dma source(%dma_start3A_197 : memref<128x128xf32, #tpu.memory_space<vmem>>) target(%dma_start3A_193 : memref<128x128xf32, #tpu.memory_space<hbm>>) target_semaphore(%dma_start3A_191 : memref<!tpu.dma_semaphore, #tpu.memory_space<semaphore_mem>>)
      %mul3A_198 = arith.constant 4 : i32
      %mul3A_199 = arith.muli %scan3A_5, %mul3A_198 : i32
      %add3A_200 = arith.constant 2 : i32
      %add3A_201 = arith.addi %mul3A_199, %add3A_200 : i32
      %mul3A_202 = arith.constant 16384 : i32
      %mul3A_203 = arith.muli %add3A, %mul3A_202 : i32
      %mul3A_204 = arith.constant 128 : i32
      %mul3A_205 = arith.muli %add3A_201, %mul3A_204 : i32
      %add3A_206 = arith.addi %mul3A_203, %mul3A_205 : i32
      %dma_start3A_207 = arith.constant 2 : i32
      %dma_start3A_208 = arith.constant 2 : i32
      %dma_start3A_209 = arith.constant 0 : i32
      %dma_start3A_210 = arith.constant 0 : i32
      %dma_start3A_211 = tpu.memref_slice %arg6[%dma_start3A_207, %dma_start3A_209, %dma_start3A_210] : memref<4x128x128xf32, #tpu.memory_space<vmem>> -> memref<1x128x128xf32, #tpu.memory_space<vmem>>
      %dma_start3A_212 = tpu.memref_squeeze %dma_start3A_211 : memref<1x128x128xf32, #tpu.memory_space<vmem>> -> memref<128x128xf32, #tpu.memory_space<vmem>>
      %dma_start3A_213 = arith.constant 0 : i32
      %dma_start3A_214 = tpu.memref_slice %arg4[%add3A_206, %dma_start3A_213] : memref<524288x128xf32, #tpu.memory_space<hbm>> -> memref<128x128xf32, #tpu.memory_space<hbm>>
      %dma_start3A_215 = tpu.memref_slice %arg8[%dma_start3A_208] : memref<4x!tpu.dma_semaphore, #tpu.memory_space<semaphore_mem>> -> memref<1x!tpu.dma_semaphore, #tpu.memory_space<semaphore_mem>>
      %dma_start3A_216 = tpu.memref_squeeze %dma_start3A_215 : memref<1x!tpu.dma_semaphore, #tpu.memory_space<semaphore_mem>> -> memref<!tpu.dma_semaphore, #tpu.memory_space<semaphore_mem>>
      %dma_start3A_217 = arith.constant 0 : i32
      %dma_start3A_218 = tpu.memref_slice %arg4[%add3A_206, %dma_start3A_217] : memref<524288x128xf32, #tpu.memory_space<hbm>> -> memref<128x128xf32, #tpu.memory_space<hbm>>
      %dma_start3A_219 = arith.constant 0 : i32
      %dma_start3A_220 = arith.constant 0 : i32
      %dma_start3A_221 = tpu.memref_slice %arg6[%dma_start3A_207, %dma_start3A_219, %dma_start3A_220] : memref<4x128x128xf32, #tpu.memory_space<vmem>> -> memref<1x128x128xf32, #tpu.memory_space<vmem>>
      %dma_start3A_222 = tpu.memref_squeeze %dma_start3A_221 : memref<1x128x128xf32, #tpu.memory_space<vmem>> -> memref<128x128xf32, #tpu.memory_space<vmem>>
      tpu.enqueue_dma source(%dma_start3A_222 : memref<128x128xf32, #tpu.memory_space<vmem>>) target(%dma_start3A_218 : memref<128x128xf32, #tpu.memory_space<hbm>>) target_semaphore(%dma_start3A_216 : memref<!tpu.dma_semaphore, #tpu.memory_space<semaphore_mem>>)
      %mul3A_223 = arith.constant 4 : i32
      %mul3A_224 = arith.muli %scan3A_5, %mul3A_223 : i32
      %add3A_225 = arith.constant 3 : i32
      %add3A_226 = arith.addi %mul3A_224, %add3A_225 : i32
      %mul3A_227 = arith.constant 16384 : i32
      %mul3A_228 = arith.muli %add3A, %mul3A_227 : i32
      %mul3A_229 = arith.constant 128 : i32
      %mul3A_230 = arith.muli %add3A_226, %mul3A_229 : i32
      %add3A_231 = arith.addi %mul3A_228, %mul3A_230 : i32
      %dma_start3A_232 = arith.constant 3 : i32
      %dma_start3A_233 = arith.constant 3 : i32
      %dma_start3A_234 = arith.constant 0 : i32
      %dma_start3A_235 = arith.constant 0 : i32
      %dma_start3A_236 = tpu.memref_slice %arg6[%dma_start3A_232, %dma_start3A_234, %dma_start3A_235] : memref<4x128x128xf32, #tpu.memory_space<vmem>> -> memref<1x128x128xf32, #tpu.memory_space<vmem>>
      %dma_start3A_237 = tpu.memref_squeeze %dma_start3A_236 : memref<1x128x128xf32, #tpu.memory_space<vmem>> -> memref<128x128xf32, #tpu.memory_space<vmem>>
      %dma_start3A_238 = arith.constant 0 : i32
      %dma_start3A_239 = tpu.memref_slice %arg4[%add3A_231, %dma_start3A_238] : memref<524288x128xf32, #tpu.memory_space<hbm>> -> memref<128x128xf32, #tpu.memory_space<hbm>>
      %dma_start3A_240 = tpu.memref_slice %arg8[%dma_start3A_233] : memref<4x!tpu.dma_semaphore, #tpu.memory_space<semaphore_mem>> -> memref<1x!tpu.dma_semaphore, #tpu.memory_space<semaphore_mem>>
      %dma_start3A_241 = tpu.memref_squeeze %dma_start3A_240 : memref<1x!tpu.dma_semaphore, #tpu.memory_space<semaphore_mem>> -> memref<!tpu.dma_semaphore, #tpu.memory_space<semaphore_mem>>
      %dma_start3A_242 = arith.constant 0 : i32
      %dma_start3A_243 = tpu.memref_slice %arg4[%add3A_231, %dma_start3A_242] : memref<524288x128xf32, #tpu.memory_space<hbm>> -> memref<128x128xf32, #tpu.memory_space<hbm>>
      %dma_start3A_244 = arith.constant 0 : i32
      %dma_start3A_245 = arith.constant 0 : i32
      %dma_start3A_246 = tpu.memref_slice %arg6[%dma_start3A_232, %dma_start3A_244, %dma_start3A_245] : memref<4x128x128xf32, #tpu.memory_space<vmem>> -> memref<1x128x128xf32, #tpu.memory_space<vmem>>
      %dma_start3A_247 = tpu.memref_squeeze %dma_start3A_246 : memref<1x128x128xf32, #tpu.memory_space<vmem>> -> memref<128x128xf32, #tpu.memory_space<vmem>>
      tpu.enqueue_dma source(%dma_start3A_247 : memref<128x128xf32, #tpu.memory_space<vmem>>) target(%dma_start3A_243 : memref<128x128xf32, #tpu.memory_space<hbm>>) target_semaphore(%dma_start3A_241 : memref<!tpu.dma_semaphore, #tpu.memory_space<semaphore_mem>>)
      %mul3A_248 = arith.constant 4 : i32
      %mul3A_249 = arith.muli %scan3A_5, %mul3A_248 : i32
      %add3A_250 = arith.constant 0 : i32
      %add3A_251 = arith.addi %mul3A_249, %add3A_250 : i32
      %mul3A_252 = arith.constant 16384 : i32
      %mul3A_253 = arith.muli %add3A, %mul3A_252 : i32
      %mul3A_254 = arith.constant 128 : i32
      %mul3A_255 = arith.muli %add3A_251, %mul3A_254 : i32
      %add3A_256 = arith.addi %mul3A_253, %mul3A_255 : i32
      %dma_wait3A_257 = arith.constant 0 : i32
      %dma_wait3A_258 = arith.constant 0 : i32
      %dma_wait3A_259 = arith.constant 0 : i32
      %dma_wait3A_260 = arith.constant 0 : i32
      %dma_wait3A_261 = tpu.memref_slice %arg6[%dma_wait3A_257, %dma_wait3A_259, %dma_wait3A_260] : memref<4x128x128xf32, #tpu.memory_space<vmem>> -> memref<1x128x128xf32, #tpu.memory_space<vmem>>
      %dma_wait3A_262 = tpu.memref_squeeze %dma_wait3A_261 : memref<1x128x128xf32, #tpu.memory_space<vmem>> -> memref<128x128xf32, #tpu.memory_space<vmem>>
      %dma_wait3A_263 = arith.constant 0 : i32
      %dma_wait3A_264 = tpu.memref_slice %arg4[%add3A_256, %dma_wait3A_263] : memref<524288x128xf32, #tpu.memory_space<hbm>> -> memref<128x128xf32, #tpu.memory_space<hbm>>
      %dma_wait3A_265 = tpu.memref_slice %arg8[%dma_wait3A_258] : memref<4x!tpu.dma_semaphore, #tpu.memory_space<semaphore_mem>> -> memref<1x!tpu.dma_semaphore, #tpu.memory_space<semaphore_mem>>
      %dma_wait3A_266 = tpu.memref_squeeze %dma_wait3A_265 : memref<1x!tpu.dma_semaphore, #tpu.memory_space<semaphore_mem>> -> memref<!tpu.dma_semaphore, #tpu.memory_space<semaphore_mem>>
      %dma_wait3A_267 = arith.constant 0 : i32
      %dma_wait3A_268 = tpu.memref_slice %arg4[%add3A_256, %dma_wait3A_267] : memref<524288x128xf32, #tpu.memory_space<hbm>> -> memref<128x128xf32, #tpu.memory_space<hbm>>
      %dma_wait3A_269 = arith.constant 0 : i32
      %dma_wait3A_270 = arith.constant 0 : i32
      %dma_wait3A_271 = tpu.memref_slice %arg6[%dma_wait3A_257, %dma_wait3A_269, %dma_wait3A_270] : memref<4x128x128xf32, #tpu.memory_space<vmem>> -> memref<1x128x128xf32, #tpu.memory_space<vmem>>
      %dma_wait3A_272 = tpu.memref_squeeze %dma_wait3A_271 : memref<1x128x128xf32, #tpu.memory_space<vmem>> -> memref<128x128xf32, #tpu.memory_space<vmem>>
      tpu.wait_dma2 semaphore(%dma_wait3A_266 : memref<!tpu.dma_semaphore, #tpu.memory_space<semaphore_mem>>) src(%dma_wait3A_272 : memref<128x128xf32, #tpu.memory_space<vmem>>) dst(%dma_wait3A_268 : memref<128x128xf32, #tpu.memory_space<hbm>>)
      %mul3A_273 = arith.constant 4 : i32
      %mul3A_274 = arith.muli %scan3A_5, %mul3A_273 : i32
      %add3A_275 = arith.constant 1 : i32
      %add3A_276 = arith.addi %mul3A_274, %add3A_275 : i32
      %mul3A_277 = arith.constant 16384 : i32
      %mul3A_278 = arith.muli %add3A, %mul3A_277 : i32
      %mul3A_279 = arith.constant 128 : i32
      %mul3A_280 = arith.muli %add3A_276, %mul3A_279 : i32
      %add3A_281 = arith.addi %mul3A_278, %mul3A_280 : i32
      %dma_wait3A_282 = arith.constant 1 : i32
      %dma_wait3A_283 = arith.constant 1 : i32
      %dma_wait3A_284 = arith.constant 0 : i32
      %dma_wait3A_285 = arith.constant 0 : i32
      %dma_wait3A_286 = tpu.memref_slice %arg6[%dma_wait3A_282, %dma_wait3A_284, %dma_wait3A_285] : memref<4x128x128xf32, #tpu.memory_space<vmem>> -> memref<1x128x128xf32, #tpu.memory_space<vmem>>
      %dma_wait3A_287 = tpu.memref_squeeze %dma_wait3A_286 : memref<1x128x128xf32, #tpu.memory_space<vmem>> -> memref<128x128xf32, #tpu.memory_space<vmem>>
      %dma_wait3A_288 = arith.constant 0 : i32
      %dma_wait3A_289 = tpu.memref_slice %arg4[%add3A_281, %dma_wait3A_288] : memref<524288x128xf32, #tpu.memory_space<hbm>> -> memref<128x128xf32, #tpu.memory_space<hbm>>
      %dma_wait3A_290 = tpu.memref_slice %arg8[%dma_wait3A_283] : memref<4x!tpu.dma_semaphore, #tpu.memory_space<semaphore_mem>> -> memref<1x!tpu.dma_semaphore, #tpu.memory_space<semaphore_mem>>
      %dma_wait3A_291 = tpu.memref_squeeze %dma_wait3A_290 : memref<1x!tpu.dma_semaphore, #tpu.memory_space<semaphore_mem>> -> memref<!tpu.dma_semaphore, #tpu.memory_space<semaphore_mem>>
      %dma_wait3A_292 = arith.constant 0 : i32
      %dma_wait3A_293 = tpu.memref_slice %arg4[%add3A_281, %dma_wait3A_292] : memref<524288x128xf32, #tpu.memory_space<hbm>> -> memref<128x128xf32, #tpu.memory_space<hbm>>
      %dma_wait3A_294 = arith.constant 0 : i32
      %dma_wait3A_295 = arith.constant 0 : i32
      %dma_wait3A_296 = tpu.memref_slice %arg6[%dma_wait3A_282, %dma_wait3A_294, %dma_wait3A_295] : memref<4x128x128xf32, #tpu.memory_space<vmem>> -> memref<1x128x128xf32, #tpu.memory_space<vmem>>
      %dma_wait3A_297 = tpu.memref_squeeze %dma_wait3A_296 : memref<1x128x128xf32, #tpu.memory_space<vmem>> -> memref<128x128xf32, #tpu.memory_space<vmem>>
      tpu.wait_dma2 semaphore(%dma_wait3A_291 : memref<!tpu.dma_semaphore, #tpu.memory_space<semaphore_mem>>) src(%dma_wait3A_297 : memref<128x128xf32, #tpu.memory_space<vmem>>) dst(%dma_wait3A_293 : memref<128x128xf32, #tpu.memory_space<hbm>>)
      %mul3A_298 = arith.constant 4 : i32
      %mul3A_299 = arith.muli %scan3A_5, %mul3A_298 : i32
      %add3A_300 = arith.constant 2 : i32
      %add3A_301 = arith.addi %mul3A_299, %add3A_300 : i32
      %mul3A_302 = arith.constant 16384 : i32
      %mul3A_303 = arith.muli %add3A, %mul3A_302 : i32
      %mul3A_304 = arith.constant 128 : i32
      %mul3A_305 = arith.muli %add3A_301, %mul3A_304 : i32
      %add3A_306 = arith.addi %mul3A_303, %mul3A_305 : i32
      %dma_wait3A_307 = arith.constant 2 : i32
      %dma_wait3A_308 = arith.constant 2 : i32
      %dma_wait3A_309 = arith.constant 0 : i32
      %dma_wait3A_310 = arith.constant 0 : i32
      %dma_wait3A_311 = tpu.memref_slice %arg6[%dma_wait3A_307, %dma_wait3A_309, %dma_wait3A_310] : memref<4x128x128xf32, #tpu.memory_space<vmem>> -> memref<1x128x128xf32, #tpu.memory_space<vmem>>
      %dma_wait3A_312 = tpu.memref_squeeze %dma_wait3A_311 : memref<1x128x128xf32, #tpu.memory_space<vmem>> -> memref<128x128xf32, #tpu.memory_space<vmem>>
      %dma_wait3A_313 = arith.constant 0 : i32
      %dma_wait3A_314 = tpu.memref_slice %arg4[%add3A_306, %dma_wait3A_313] : memref<524288x128xf32, #tpu.memory_space<hbm>> -> memref<128x128xf32, #tpu.memory_space<hbm>>
      %dma_wait3A_315 = tpu.memref_slice %arg8[%dma_wait3A_308] : memref<4x!tpu.dma_semaphore, #tpu.memory_space<semaphore_mem>> -> memref<1x!tpu.dma_semaphore, #tpu.memory_space<semaphore_mem>>
      %dma_wait3A_316 = tpu.memref_squeeze %dma_wait3A_315 : memref<1x!tpu.dma_semaphore, #tpu.memory_space<semaphore_mem>> -> memref<!tpu.dma_semaphore, #tpu.memory_space<semaphore_mem>>
      %dma_wait3A_317 = arith.constant 0 : i32
      %dma_wait3A_318 = tpu.memref_slice %arg4[%add3A_306, %dma_wait3A_317] : memref<524288x128xf32, #tpu.memory_space<hbm>> -> memref<128x128xf32, #tpu.memory_space<hbm>>
      %dma_wait3A_319 = arith.constant 0 : i32
      %dma_wait3A_320 = arith.constant 0 : i32
      %dma_wait3A_321 = tpu.memref_slice %arg6[%dma_wait3A_307, %dma_wait3A_319, %dma_wait3A_320] : memref<4x128x128xf32, #tpu.memory_space<vmem>> -> memref<1x128x128xf32, #tpu.memory_space<vmem>>
      %dma_wait3A_322 = tpu.memref_squeeze %dma_wait3A_321 : memref<1x128x128xf32, #tpu.memory_space<vmem>> -> memref<128x128xf32, #tpu.memory_space<vmem>>
      tpu.wait_dma2 semaphore(%dma_wait3A_316 : memref<!tpu.dma_semaphore, #tpu.memory_space<semaphore_mem>>) src(%dma_wait3A_322 : memref<128x128xf32, #tpu.memory_space<vmem>>) dst(%dma_wait3A_318 : memref<128x128xf32, #tpu.memory_space<hbm>>)
      %mul3A_323 = arith.constant 4 : i32
      %mul3A_324 = arith.muli %scan3A_5, %mul3A_323 : i32
      %add3A_325 = arith.constant 3 : i32
      %add3A_326 = arith.addi %mul3A_324, %add3A_325 : i32
      %mul3A_327 = arith.constant 16384 : i32
      %mul3A_328 = arith.muli %add3A, %mul3A_327 : i32
      %mul3A_329 = arith.constant 128 : i32
      %mul3A_330 = arith.muli %add3A_326, %mul3A_329 : i32
      %add3A_331 = arith.addi %mul3A_328, %mul3A_330 : i32
      %dma_wait3A_332 = arith.constant 3 : i32
      %dma_wait3A_333 = arith.constant 3 : i32
      %dma_wait3A_334 = arith.constant 0 : i32
      %dma_wait3A_335 = arith.constant 0 : i32
      %dma_wait3A_336 = tpu.memref_slice %arg6[%dma_wait3A_332, %dma_wait3A_334, %dma_wait3A_335] : memref<4x128x128xf32, #tpu.memory_space<vmem>> -> memref<1x128x128xf32, #tpu.memory_space<vmem>>
      %dma_wait3A_337 = tpu.memref_squeeze %dma_wait3A_336 : memref<1x128x128xf32, #tpu.memory_space<vmem>> -> memref<128x128xf32, #tpu.memory_space<vmem>>
      %dma_wait3A_338 = arith.constant 0 : i32
      %dma_wait3A_339 = tpu.memref_slice %arg4[%add3A_331, %dma_wait3A_338] : memref<524288x128xf32, #tpu.memory_space<hbm>> -> memref<128x128xf32, #tpu.memory_space<hbm>>
      %dma_wait3A_340 = tpu.memref_slice %arg8[%dma_wait3A_333] : memref<4x!tpu.dma_semaphore, #tpu.memory_space<semaphore_mem>> -> memref<1x!tpu.dma_semaphore, #tpu.memory_space<semaphore_mem>>
      %dma_wait3A_341 = tpu.memref_squeeze %dma_wait3A_340 : memref<1x!tpu.dma_semaphore, #tpu.memory_space<semaphore_mem>> -> memref<!tpu.dma_semaphore, #tpu.memory_space<semaphore_mem>>
      %dma_wait3A_342 = arith.constant 0 : i32
      %dma_wait3A_343 = tpu.memref_slice %arg4[%add3A_331, %dma_wait3A_342] : memref<524288x128xf32, #tpu.memory_space<hbm>> -> memref<128x128xf32, #tpu.memory_space<hbm>>
      %dma_wait3A_344 = arith.constant 0 : i32
      %dma_wait3A_345 = arith.constant 0 : i32
      %dma_wait3A_346 = tpu.memref_slice %arg6[%dma_wait3A_332, %dma_wait3A_344, %dma_wait3A_345] : memref<4x128x128xf32, #tpu.memory_space<vmem>> -> memref<1x128x128xf32, #tpu.memory_space<vmem>>
      %dma_wait3A_347 = tpu.memref_squeeze %dma_wait3A_346 : memref<1x128x128xf32, #tpu.memory_space<vmem>> -> memref<128x128xf32, #tpu.memory_space<vmem>>
      tpu.wait_dma2 semaphore(%dma_wait3A_341 : memref<!tpu.dma_semaphore, #tpu.memory_space<semaphore_mem>>) src(%dma_wait3A_347 : memref<128x128xf32, #tpu.memory_space<vmem>>) dst(%dma_wait3A_343 : memref<128x128xf32, #tpu.memory_space<hbm>>)
    }
    %scan3A_4 = arith.constant 32 : i32
    return
  }
}

module attributes {stable_mosaic.version = 14 : i64} {
  func.func @_knn_proj_kernel(%arg0: i32, %arg1: i32, %arg2: memref<1x256x4xf32, #tpu.memory_space<vmem>>, %arg3: memref<1x4x2048xf32, #tpu.memory_space<vmem>>, %arg4: memref<4x64xf32, #tpu.memory_space<vmem>>, %arg5: memref<4x64xf32, #tpu.memory_space<vmem>>, %arg6: memref<1x256x16xi32, #tpu.memory_space<vmem>>, %arg7: memref<1x256x128xf32, #tpu.memory_space<vmem>>, %arg8: memref<1x256x64xf32, #tpu.memory_space<vmem>>) attributes {dimension_semantics = [#tpu.dimension_semantics<arbitrary>, #tpu.dimension_semantics<arbitrary>], iteration_bounds = array<i64: 16, 8>, scalar_prefetch = 0 : i64, scratch_operands = 0 : i64, tpu.core_type = #tpu.core_type<tc>, window_params = [{transform_indices = @transform_0, window_bounds = array<i64: 1, 256, 4>}, {transform_indices = @transform_1, window_bounds = array<i64: 1, 4, 2048>}, {pipeline_mode = #tpu.pipeline_mode<synchronous>, transform_indices = @transform_2, window_bounds = array<i64: 4, 64>}, {pipeline_mode = #tpu.pipeline_mode<synchronous>, transform_indices = @transform_3, window_bounds = array<i64: 4, 64>}, {transform_indices = @transform_4, window_bounds = array<i64: 1, 256, 16>}, {transform_indices = @transform_5, window_bounds = array<i64: 1, 256, 128>}, {transform_indices = @transform_6, window_bounds = array<i64: 1, 256, 64>}]} {
    %get3A = arith.constant 0 : index
    %get3A_0 = arith.constant 0 : index
    %get3A_1 = arith.constant 0 : index
    %get3A_2 = vector.load %arg2[%get3A, %get3A_0, %get3A_1] : memref<1x256x4xf32, #tpu.memory_space<vmem>>, vector<1x256x4xf32>
    %get3A_3 = vector.shape_cast %get3A_2 : vector<1x256x4xf32> to vector<256x4xf32>
    %iota3A = tpu.iota {dimensions = array<i32: 1>} : vector<256x4xi32>
    %lt3A = arith.constant 3 : i32
    %lt3A_4 = vector.broadcast %lt3A : i32 to vector<256x4xi32>
    %lt3A_5 = arith.cmpi slt, %iota3A, %lt3A_4 : vector<256x4xi32>
    %jit3A = arith.constant 0.000000e+00 : f32
    %broadcast_in_dim3A = vector.broadcast %jit3A : f32 to vector<256x4xf32>
    %select_n3A = arith.select %lt3A_5, %get3A_3, %broadcast_in_dim3A : vector<256x4xi1>, vector<256x4xf32>
    %get3A_6 = arith.constant 0 : index
    %get3A_7 = arith.constant 0 : index
    %get3A_8 = arith.constant 0 : index
    %get3A_9 = vector.load %arg3[%get3A_6, %get3A_7, %get3A_8] : memref<1x4x2048xf32, #tpu.memory_space<vmem>>, vector<1x4x2048xf32>
    %get3A_10 = vector.shape_cast %get3A_9 : vector<1x4x2048xf32> to vector<4x2048xf32>
    %dot_general3A = arith.constant dense<0.000000e+00> : vector<256x2048xf32>
    %dot_general3A_11 = tpu.matmul %select_n3A, %get3A_10, %dot_general3A {dimension_numbers = #tpu.dot_dimension_numbers<[1], [0], [0], [1], [0, 0, 1, 1], [], []>, transpose_lhs_hint = false} : vector<256x4xf32>, vector<4x2048xf32>, vector<256x2048xf32> -> vector<256x2048xf32>
    %mul3A = arith.mulf %select_n3A, %select_n3A : vector<256x4xf32>
    %reduce_sum3A = arith.constant dense<0.000000e+00> : vector<256xf32>
    %reduce_sum3A_12 = vector.multi_reduction <add>, %mul3A, %reduce_sum3A [1] : vector<256x4xf32> to vector<256xf32>
    %broadcast_in_dim3A_13 = vector.shape_cast %reduce_sum3A_12 : vector<256xf32> to vector<256x1xf32>
    %mul3A_14 = arith.mulf %get3A_10, %get3A_10 : vector<4x2048xf32>
    %reduce_sum3A_15 = arith.constant dense<0.000000e+00> : vector<2048xf32>
    %reduce_sum3A_16 = vector.multi_reduction <add>, %mul3A_14, %reduce_sum3A_15 [0] : vector<4x2048xf32> to vector<2048xf32>
    %broadcast_in_dim3A_17 = vector.shape_cast %reduce_sum3A_16 : vector<2048xf32> to vector<1x2048xf32>
    %add3A = vector.broadcast %broadcast_in_dim3A_13 : vector<256x1xf32> to vector<256x2048xf32>
    %add3A_18 = vector.broadcast %broadcast_in_dim3A_17 : vector<1x2048xf32> to vector<256x2048xf32>
    %add3A_19 = arith.addf %add3A, %add3A_18 : vector<256x2048xf32>
    %mul3A_20 = arith.constant 2.000000e+00 : f32
    %mul3A_21 = vector.broadcast %mul3A_20 : f32 to vector<256x2048xf32>
    %mul3A_22 = arith.mulf %mul3A_21, %dot_general3A_11 : vector<256x2048xf32>
    %sub3A = arith.subf %add3A_19, %mul3A_22 : vector<256x2048xf32>
    %iota3A_23 = tpu.iota {dimensions = array<i32: 1>} : vector<256x2048xi32>
    %bitcast_convert_type3A = tpu.bitcast %sub3A : vector<256x2048xf32> -> vector<256x2048xi32>
    %and3A = arith.constant -2048 : i32
    %and3A_24 = vector.broadcast %and3A : i32 to vector<256x2048xi32>
    %and3A_25 = arith.andi %bitcast_convert_type3A, %and3A_24 : vector<256x2048xi32>
    %or3A = arith.ori %and3A_25, %iota3A_23 : vector<256x2048xi32>
    %slice3A = vector.extract_strided_slice %or3A {offsets = [0, 0], sizes = [256, 128], strides = [1, 1]} : vector<256x2048xi32> to vector<256x128xi32>
    %slice3A_26 = vector.extract_strided_slice %or3A {offsets = [0, 128], sizes = [256, 128], strides = [1, 1]} : vector<256x2048xi32> to vector<256x128xi32>
    %slice3A_27 = vector.extract_strided_slice %or3A {offsets = [0, 256], sizes = [256, 128], strides = [1, 1]} : vector<256x2048xi32> to vector<256x128xi32>
    %slice3A_28 = vector.extract_strided_slice %or3A {offsets = [0, 384], sizes = [256, 128], strides = [1, 1]} : vector<256x2048xi32> to vector<256x128xi32>
    %slice3A_29 = vector.extract_strided_slice %or3A {offsets = [0, 512], sizes = [256, 128], strides = [1, 1]} : vector<256x2048xi32> to vector<256x128xi32>
    %slice3A_30 = vector.extract_strided_slice %or3A {offsets = [0, 640], sizes = [256, 128], strides = [1, 1]} : vector<256x2048xi32> to vector<256x128xi32>
    %slice3A_31 = vector.extract_strided_slice %or3A {offsets = [0, 768], sizes = [256, 128], strides = [1, 1]} : vector<256x2048xi32> to vector<256x128xi32>
    %slice3A_32 = vector.extract_strided_slice %or3A {offsets = [0, 896], sizes = [256, 128], strides = [1, 1]} : vector<256x2048xi32> to vector<256x128xi32>
    %slice3A_33 = vector.extract_strided_slice %or3A {offsets = [0, 1024], sizes = [256, 128], strides = [1, 1]} : vector<256x2048xi32> to vector<256x128xi32>
    %slice3A_34 = vector.extract_strided_slice %or3A {offsets = [0, 1152], sizes = [256, 128], strides = [1, 1]} : vector<256x2048xi32> to vector<256x128xi32>
    %slice3A_35 = vector.extract_strided_slice %or3A {offsets = [0, 1280], sizes = [256, 128], strides = [1, 1]} : vector<256x2048xi32> to vector<256x128xi32>
    %slice3A_36 = vector.extract_strided_slice %or3A {offsets = [0, 1408], sizes = [256, 128], strides = [1, 1]} : vector<256x2048xi32> to vector<256x128xi32>
    %slice3A_37 = vector.extract_strided_slice %or3A {offsets = [0, 1536], sizes = [256, 128], strides = [1, 1]} : vector<256x2048xi32> to vector<256x128xi32>
    %slice3A_38 = vector.extract_strided_slice %or3A {offsets = [0, 1664], sizes = [256, 128], strides = [1, 1]} : vector<256x2048xi32> to vector<256x128xi32>
    %slice3A_39 = vector.extract_strided_slice %or3A {offsets = [0, 1792], sizes = [256, 128], strides = [1, 1]} : vector<256x2048xi32> to vector<256x128xi32>
    %slice3A_40 = vector.extract_strided_slice %or3A {offsets = [0, 1920], sizes = [256, 128], strides = [1, 1]} : vector<256x2048xi32> to vector<256x128xi32>
    %min3A = arith.minsi %slice3A, %slice3A_26 : vector<256x128xi32>
    %max3A = arith.maxsi %slice3A, %slice3A_26 : vector<256x128xi32>
    %min3A_41 = arith.minsi %slice3A_27, %slice3A_28 : vector<256x128xi32>
    %max3A_42 = arith.maxsi %slice3A_27, %slice3A_28 : vector<256x128xi32>
    %min3A_43 = arith.minsi %slice3A_29, %slice3A_30 : vector<256x128xi32>
    %max3A_44 = arith.maxsi %slice3A_29, %slice3A_30 : vector<256x128xi32>
    %min3A_45 = arith.minsi %slice3A_31, %slice3A_32 : vector<256x128xi32>
    %max3A_46 = arith.maxsi %slice3A_31, %slice3A_32 : vector<256x128xi32>
    %min3A_47 = arith.minsi %slice3A_33, %slice3A_34 : vector<256x128xi32>
    %max3A_48 = arith.maxsi %slice3A_33, %slice3A_34 : vector<256x128xi32>
    %min3A_49 = arith.minsi %slice3A_35, %slice3A_36 : vector<256x128xi32>
    %max3A_50 = arith.maxsi %slice3A_35, %slice3A_36 : vector<256x128xi32>
    %min3A_51 = arith.minsi %slice3A_37, %slice3A_38 : vector<256x128xi32>
    %max3A_52 = arith.maxsi %slice3A_37, %slice3A_38 : vector<256x128xi32>
    %min3A_53 = arith.minsi %slice3A_39, %slice3A_40 : vector<256x128xi32>
    %max3A_54 = arith.maxsi %slice3A_39, %slice3A_40 : vector<256x128xi32>
    %min3A_55 = arith.minsi %min3A, %max3A_42 : vector<256x128xi32>
    %max3A_56 = arith.maxsi %min3A, %max3A_42 : vector<256x128xi32>
    %min3A_57 = arith.minsi %max3A, %min3A_41 : vector<256x128xi32>
    %max3A_58 = arith.maxsi %max3A, %min3A_41 : vector<256x128xi32>
    %min3A_59 = arith.minsi %min3A_43, %max3A_46 : vector<256x128xi32>
    %max3A_60 = arith.maxsi %min3A_43, %max3A_46 : vector<256x128xi32>
    %min3A_61 = arith.minsi %max3A_44, %min3A_45 : vector<256x128xi32>
    %max3A_62 = arith.maxsi %max3A_44, %min3A_45 : vector<256x128xi32>
    %min3A_63 = arith.minsi %min3A_47, %max3A_50 : vector<256x128xi32>
    %max3A_64 = arith.maxsi %min3A_47, %max3A_50 : vector<256x128xi32>
    %min3A_65 = arith.minsi %max3A_48, %min3A_49 : vector<256x128xi32>
    %max3A_66 = arith.maxsi %max3A_48, %min3A_49 : vector<256x128xi32>
    %min3A_67 = arith.minsi %min3A_51, %max3A_54 : vector<256x128xi32>
    %max3A_68 = arith.maxsi %min3A_51, %max3A_54 : vector<256x128xi32>
    %min3A_69 = arith.minsi %max3A_52, %min3A_53 : vector<256x128xi32>
    %max3A_70 = arith.maxsi %max3A_52, %min3A_53 : vector<256x128xi32>
    %min3A_71 = arith.minsi %min3A_55, %min3A_57 : vector<256x128xi32>
    %max3A_72 = arith.maxsi %min3A_55, %min3A_57 : vector<256x128xi32>
    %min3A_73 = arith.minsi %max3A_56, %max3A_58 : vector<256x128xi32>
    %max3A_74 = arith.maxsi %max3A_56, %max3A_58 : vector<256x128xi32>
    %min3A_75 = arith.minsi %max3A_60, %max3A_62 : vector<256x128xi32>
    %max3A_76 = arith.maxsi %max3A_60, %max3A_62 : vector<256x128xi32>
    %min3A_77 = arith.minsi %min3A_59, %min3A_61 : vector<256x128xi32>
    %max3A_78 = arith.maxsi %min3A_59, %min3A_61 : vector<256x128xi32>
    %min3A_79 = arith.minsi %min3A_63, %min3A_65 : vector<256x128xi32>
    %max3A_80 = arith.maxsi %min3A_63, %min3A_65 : vector<256x128xi32>
    %min3A_81 = arith.minsi %max3A_64, %max3A_66 : vector<256x128xi32>
    %max3A_82 = arith.maxsi %max3A_64, %max3A_66 : vector<256x128xi32>
    %min3A_83 = arith.minsi %max3A_68, %max3A_70 : vector<256x128xi32>
    %max3A_84 = arith.maxsi %max3A_68, %max3A_70 : vector<256x128xi32>
    %min3A_85 = arith.minsi %min3A_67, %min3A_69 : vector<256x128xi32>
    %max3A_86 = arith.maxsi %min3A_67, %min3A_69 : vector<256x128xi32>
    %min3A_87 = arith.minsi %min3A_71, %max3A_76 : vector<256x128xi32>
    %max3A_88 = arith.maxsi %min3A_71, %max3A_76 : vector<256x128xi32>
    %min3A_89 = arith.minsi %max3A_72, %min3A_75 : vector<256x128xi32>
    %max3A_90 = arith.maxsi %max3A_72, %min3A_75 : vector<256x128xi32>
    %min3A_91 = arith.minsi %min3A_73, %max3A_78 : vector<256x128xi32>
    %max3A_92 = arith.maxsi %min3A_73, %max3A_78 : vector<256x128xi32>
    %min3A_93 = arith.minsi %max3A_74, %min3A_77 : vector<256x128xi32>
    %max3A_94 = arith.maxsi %max3A_74, %min3A_77 : vector<256x128xi32>
    %min3A_95 = arith.minsi %min3A_79, %max3A_84 : vector<256x128xi32>
    %max3A_96 = arith.maxsi %min3A_79, %max3A_84 : vector<256x128xi32>
    %min3A_97 = arith.minsi %max3A_80, %min3A_83 : vector<256x128xi32>
    %max3A_98 = arith.maxsi %max3A_80, %min3A_83 : vector<256x128xi32>
    %min3A_99 = arith.minsi %min3A_81, %max3A_86 : vector<256x128xi32>
    %max3A_100 = arith.maxsi %min3A_81, %max3A_86 : vector<256x128xi32>
    %min3A_101 = arith.minsi %max3A_82, %min3A_85 : vector<256x128xi32>
    %max3A_102 = arith.maxsi %max3A_82, %min3A_85 : vector<256x128xi32>
    %min3A_103 = arith.minsi %min3A_87, %min3A_91 : vector<256x128xi32>
    %max3A_104 = arith.maxsi %min3A_87, %min3A_91 : vector<256x128xi32>
    %min3A_105 = arith.minsi %min3A_89, %min3A_93 : vector<256x128xi32>
    %max3A_106 = arith.maxsi %min3A_89, %min3A_93 : vector<256x128xi32>
    %min3A_107 = arith.minsi %max3A_88, %max3A_92 : vector<256x128xi32>
    %max3A_108 = arith.maxsi %max3A_88, %max3A_92 : vector<256x128xi32>
    %min3A_109 = arith.minsi %max3A_90, %max3A_94 : vector<256x128xi32>
    %max3A_110 = arith.maxsi %max3A_90, %max3A_94 : vector<256x128xi32>
    %min3A_111 = arith.minsi %max3A_96, %max3A_100 : vector<256x128xi32>
    %max3A_112 = arith.maxsi %max3A_96, %max3A_100 : vector<256x128xi32>
    %min3A_113 = arith.minsi %max3A_98, %max3A_102 : vector<256x128xi32>
    %max3A_114 = arith.maxsi %max3A_98, %max3A_102 : vector<256x128xi32>
    %min3A_115 = arith.minsi %min3A_95, %min3A_99 : vector<256x128xi32>
    %max3A_116 = arith.maxsi %min3A_95, %min3A_99 : vector<256x128xi32>
    %min3A_117 = arith.minsi %min3A_97, %min3A_101 : vector<256x128xi32>
    %max3A_118 = arith.maxsi %min3A_97, %min3A_101 : vector<256x128xi32>
    %min3A_119 = arith.minsi %min3A_103, %min3A_105 : vector<256x128xi32>
    %max3A_120 = arith.maxsi %min3A_103, %min3A_105 : vector<256x128xi32>
    %min3A_121 = arith.minsi %max3A_104, %max3A_106 : vector<256x128xi32>
    %max3A_122 = arith.maxsi %max3A_104, %max3A_106 : vector<256x128xi32>
    %min3A_123 = arith.minsi %min3A_107, %min3A_109 : vector<256x128xi32>
    %max3A_124 = arith.maxsi %min3A_107, %min3A_109 : vector<256x128xi32>
    %min3A_125 = arith.minsi %max3A_108, %max3A_110 : vector<256x128xi32>
    %max3A_126 = arith.maxsi %max3A_108, %max3A_110 : vector<256x128xi32>
    %min3A_127 = arith.minsi %max3A_112, %max3A_114 : vector<256x128xi32>
    %max3A_128 = arith.maxsi %max3A_112, %max3A_114 : vector<256x128xi32>
    %min3A_129 = arith.minsi %min3A_111, %min3A_113 : vector<256x128xi32>
    %max3A_130 = arith.maxsi %min3A_111, %min3A_113 : vector<256x128xi32>
    %min3A_131 = arith.minsi %max3A_116, %max3A_118 : vector<256x128xi32>
    %max3A_132 = arith.maxsi %max3A_116, %max3A_118 : vector<256x128xi32>
    %min3A_133 = arith.minsi %min3A_115, %min3A_117 : vector<256x128xi32>
    %max3A_134 = arith.maxsi %min3A_115, %min3A_117 : vector<256x128xi32>
    %min3A_135 = arith.minsi %min3A_119, %max3A_128 : vector<256x128xi32>
    %max3A_136 = arith.maxsi %min3A_119, %max3A_128 : vector<256x128xi32>
    %min3A_137 = arith.minsi %max3A_120, %min3A_127 : vector<256x128xi32>
    %max3A_138 = arith.maxsi %max3A_120, %min3A_127 : vector<256x128xi32>
    %min3A_139 = arith.minsi %min3A_121, %max3A_130 : vector<256x128xi32>
    %max3A_140 = arith.maxsi %min3A_121, %max3A_130 : vector<256x128xi32>
    %min3A_141 = arith.minsi %max3A_122, %min3A_129 : vector<256x128xi32>
    %max3A_142 = arith.maxsi %max3A_122, %min3A_129 : vector<256x128xi32>
    %min3A_143 = arith.minsi %min3A_123, %max3A_132 : vector<256x128xi32>
    %max3A_144 = arith.maxsi %min3A_123, %max3A_132 : vector<256x128xi32>
    %min3A_145 = arith.minsi %max3A_124, %min3A_131 : vector<256x128xi32>
    %max3A_146 = arith.maxsi %max3A_124, %min3A_131 : vector<256x128xi32>
    %min3A_147 = arith.minsi %min3A_125, %max3A_134 : vector<256x128xi32>
    %max3A_148 = arith.maxsi %min3A_125, %max3A_134 : vector<256x128xi32>
    %min3A_149 = arith.minsi %max3A_126, %min3A_133 : vector<256x128xi32>
    %max3A_150 = arith.maxsi %max3A_126, %min3A_133 : vector<256x128xi32>
    %min3A_151 = arith.minsi %min3A_135, %min3A_143 : vector<256x128xi32>
    %max3A_152 = arith.maxsi %min3A_135, %min3A_143 : vector<256x128xi32>
    %min3A_153 = arith.minsi %min3A_137, %min3A_145 : vector<256x128xi32>
    %max3A_154 = arith.maxsi %min3A_137, %min3A_145 : vector<256x128xi32>
    %min3A_155 = arith.minsi %min3A_139, %min3A_147 : vector<256x128xi32>
    %max3A_156 = arith.maxsi %min3A_139, %min3A_147 : vector<256x128xi32>
    %min3A_157 = arith.minsi %min3A_141, %min3A_149 : vector<256x128xi32>
    %max3A_158 = arith.maxsi %min3A_141, %min3A_149 : vector<256x128xi32>
    %min3A_159 = arith.minsi %max3A_136, %max3A_144 : vector<256x128xi32>
    %max3A_160 = arith.maxsi %max3A_136, %max3A_144 : vector<256x128xi32>
    %min3A_161 = arith.minsi %max3A_138, %max3A_146 : vector<256x128xi32>
    %max3A_162 = arith.maxsi %max3A_138, %max3A_146 : vector<256x128xi32>
    %min3A_163 = arith.minsi %max3A_140, %max3A_148 : vector<256x128xi32>
    %max3A_164 = arith.maxsi %max3A_140, %max3A_148 : vector<256x128xi32>
    %min3A_165 = arith.minsi %max3A_142, %max3A_150 : vector<256x128xi32>
    %max3A_166 = arith.maxsi %max3A_142, %max3A_150 : vector<256x128xi32>
    %min3A_167 = arith.minsi %min3A_151, %min3A_155 : vector<256x128xi32>
    %max3A_168 = arith.maxsi %min3A_151, %min3A_155 : vector<256x128xi32>
    %min3A_169 = arith.minsi %min3A_153, %min3A_157 : vector<256x128xi32>
    %max3A_170 = arith.maxsi %min3A_153, %min3A_157 : vector<256x128xi32>
    %min3A_171 = arith.minsi %max3A_152, %max3A_156 : vector<256x128xi32>
    %max3A_172 = arith.maxsi %max3A_152, %max3A_156 : vector<256x128xi32>
    %min3A_173 = arith.minsi %max3A_154, %max3A_158 : vector<256x128xi32>
    %max3A_174 = arith.maxsi %max3A_154, %max3A_158 : vector<256x128xi32>
    %min3A_175 = arith.minsi %min3A_159, %min3A_163 : vector<256x128xi32>
    %max3A_176 = arith.maxsi %min3A_159, %min3A_163 : vector<256x128xi32>
    %min3A_177 = arith.minsi %min3A_161, %min3A_165 : vector<256x128xi32>
    %max3A_178 = arith.maxsi %min3A_161, %min3A_165 : vector<256x128xi32>
    %min3A_179 = arith.minsi %max3A_160, %max3A_164 : vector<256x128xi32>
    %max3A_180 = arith.maxsi %max3A_160, %max3A_164 : vector<256x128xi32>
    %min3A_181 = arith.minsi %max3A_162, %max3A_166 : vector<256x128xi32>
    %max3A_182 = arith.maxsi %max3A_162, %max3A_166 : vector<256x128xi32>
    %min3A_183 = arith.minsi %min3A_167, %min3A_169 : vector<256x128xi32>
    %max3A_184 = arith.maxsi %min3A_167, %min3A_169 : vector<256x128xi32>
    %min3A_185 = arith.minsi %max3A_168, %max3A_170 : vector<256x128xi32>
    %max3A_186 = arith.maxsi %max3A_168, %max3A_170 : vector<256x128xi32>
    %min3A_187 = arith.minsi %min3A_171, %min3A_173 : vector<256x128xi32>
    %max3A_188 = arith.maxsi %min3A_171, %min3A_173 : vector<256x128xi32>
    %min3A_189 = arith.minsi %max3A_172, %max3A_174 : vector<256x128xi32>
    %max3A_190 = arith.maxsi %max3A_172, %max3A_174 : vector<256x128xi32>
    %min3A_191 = arith.minsi %min3A_175, %min3A_177 : vector<256x128xi32>
    %max3A_192 = arith.maxsi %min3A_175, %min3A_177 : vector<256x128xi32>
    %min3A_193 = arith.minsi %max3A_176, %max3A_178 : vector<256x128xi32>
    %max3A_194 = arith.maxsi %max3A_176, %max3A_178 : vector<256x128xi32>
    %min3A_195 = arith.minsi %min3A_179, %min3A_181 : vector<256x128xi32>
    %max3A_196 = arith.maxsi %min3A_179, %min3A_181 : vector<256x128xi32>
    %min3A_197 = arith.minsi %max3A_180, %max3A_182 : vector<256x128xi32>
    %max3A_198 = arith.maxsi %max3A_180, %max3A_182 : vector<256x128xi32>
    %reduce_min3A = arith.constant dense<2147483647> : vector<256xi32>
    %reduce_min3A_199 = vector.multi_reduction <minsi>, %min3A_183, %reduce_min3A [1] : vector<256x128xi32> to vector<256xi32>
    %broadcast_in_dim3A_200 = vector.shape_cast %reduce_min3A_199 : vector<256xi32> to vector<256x1xi32>
    %and3A_201 = arith.constant 2047 : i32
    %and3A_202 = vector.broadcast %and3A_201 : i32 to vector<256x1xi32>
    %and3A_203 = arith.andi %broadcast_in_dim3A_200, %and3A_202 : vector<256x1xi32>
    %eq3A = vector.broadcast %broadcast_in_dim3A_200 : vector<256x1xi32> to vector<256x128xi32>
    %eq3A_204 = arith.cmpi eq, %min3A_183, %eq3A : vector<256x128xi32>
    %select_n3A_205 = arith.select %eq3A_204, %max3A_184, %min3A_183 : vector<256x128xi1>, vector<256x128xi32>
    %select_n3A_206 = arith.select %eq3A_204, %min3A_185, %max3A_184 : vector<256x128xi1>, vector<256x128xi32>
    %select_n3A_207 = arith.select %eq3A_204, %max3A_186, %min3A_185 : vector<256x128xi1>, vector<256x128xi32>
    %select_n3A_208 = arith.select %eq3A_204, %min3A_187, %max3A_186 : vector<256x128xi1>, vector<256x128xi32>
    %select_n3A_209 = arith.select %eq3A_204, %max3A_188, %min3A_187 : vector<256x128xi1>, vector<256x128xi32>
    %select_n3A_210 = arith.select %eq3A_204, %min3A_189, %max3A_188 : vector<256x128xi1>, vector<256x128xi32>
    %select_n3A_211 = arith.select %eq3A_204, %max3A_190, %min3A_189 : vector<256x128xi1>, vector<256x128xi32>
    %select_n3A_212 = arith.select %eq3A_204, %min3A_191, %max3A_190 : vector<256x128xi1>, vector<256x128xi32>
    %select_n3A_213 = arith.select %eq3A_204, %max3A_192, %min3A_191 : vector<256x128xi1>, vector<256x128xi32>
    %select_n3A_214 = arith.select %eq3A_204, %min3A_193, %max3A_192 : vector<256x128xi1>, vector<256x128xi32>
    %select_n3A_215 = arith.select %eq3A_204, %max3A_194, %min3A_193 : vector<256x128xi1>, vector<256x128xi32>
    %select_n3A_216 = arith.select %eq3A_204, %min3A_195, %max3A_194 : vector<256x128xi1>, vector<256x128xi32>
    %select_n3A_217 = arith.select %eq3A_204, %max3A_196, %min3A_195 : vector<256x128xi1>, vector<256x128xi32>
    %select_n3A_218 = arith.select %eq3A_204, %min3A_197, %max3A_196 : vector<256x128xi1>, vector<256x128xi32>
    %select_n3A_219 = arith.select %eq3A_204, %max3A_198, %min3A_197 : vector<256x128xi1>, vector<256x128xi32>
    %reduce_min3A_220 = arith.constant dense<2147483647> : vector<256xi32>
    %reduce_min3A_221 = vector.multi_reduction <minsi>, %select_n3A_205, %reduce_min3A_220 [1] : vector<256x128xi32> to vector<256xi32>
    %broadcast_in_dim3A_222 = vector.shape_cast %reduce_min3A_221 : vector<256xi32> to vector<256x1xi32>
    %and3A_223 = arith.constant 2047 : i32
    %and3A_224 = vector.broadcast %and3A_223 : i32 to vector<256x1xi32>
    %and3A_225 = arith.andi %broadcast_in_dim3A_222, %and3A_224 : vector<256x1xi32>
    %eq3A_226 = vector.broadcast %broadcast_in_dim3A_222 : vector<256x1xi32> to vector<256x128xi32>
    %eq3A_227 = arith.cmpi eq, %select_n3A_205, %eq3A_226 : vector<256x128xi32>
    %select_n3A_228 = arith.select %eq3A_227, %select_n3A_206, %select_n3A_205 : vector<256x128xi1>, vector<256x128xi32>
    %select_n3A_229 = arith.select %eq3A_227, %select_n3A_207, %select_n3A_206 : vector<256x128xi1>, vector<256x128xi32>
    %select_n3A_230 = arith.select %eq3A_227, %select_n3A_208, %select_n3A_207 : vector<256x128xi1>, vector<256x128xi32>
    %select_n3A_231 = arith.select %eq3A_227, %select_n3A_209, %select_n3A_208 : vector<256x128xi1>, vector<256x128xi32>
    %select_n3A_232 = arith.select %eq3A_227, %select_n3A_210, %select_n3A_209 : vector<256x128xi1>, vector<256x128xi32>
    %select_n3A_233 = arith.select %eq3A_227, %select_n3A_211, %select_n3A_210 : vector<256x128xi1>, vector<256x128xi32>
    %select_n3A_234 = arith.select %eq3A_227, %select_n3A_212, %select_n3A_211 : vector<256x128xi1>, vector<256x128xi32>
    %select_n3A_235 = arith.select %eq3A_227, %select_n3A_213, %select_n3A_212 : vector<256x128xi1>, vector<256x128xi32>
    %select_n3A_236 = arith.select %eq3A_227, %select_n3A_214, %select_n3A_213 : vector<256x128xi1>, vector<256x128xi32>
    %select_n3A_237 = arith.select %eq3A_227, %select_n3A_215, %select_n3A_214 : vector<256x128xi1>, vector<256x128xi32>
    %select_n3A_238 = arith.select %eq3A_227, %select_n3A_216, %select_n3A_215 : vector<256x128xi1>, vector<256x128xi32>
    %select_n3A_239 = arith.select %eq3A_227, %select_n3A_217, %select_n3A_216 : vector<256x128xi1>, vector<256x128xi32>
    %select_n3A_240 = arith.select %eq3A_227, %select_n3A_218, %select_n3A_217 : vector<256x128xi1>, vector<256x128xi32>
    %select_n3A_241 = arith.select %eq3A_227, %select_n3A_219, %select_n3A_218 : vector<256x128xi1>, vector<256x128xi32>
    %reduce_min3A_242 = arith.constant dense<2147483647> : vector<256xi32>
    %reduce_min3A_243 = vector.multi_reduction <minsi>, %select_n3A_228, %reduce_min3A_242 [1] : vector<256x128xi32> to vector<256xi32>
    %broadcast_in_dim3A_244 = vector.shape_cast %reduce_min3A_243 : vector<256xi32> to vector<256x1xi32>
    %and3A_245 = arith.constant 2047 : i32
    %and3A_246 = vector.broadcast %and3A_245 : i32 to vector<256x1xi32>
    %and3A_247 = arith.andi %broadcast_in_dim3A_244, %and3A_246 : vector<256x1xi32>
    %eq3A_248 = vector.broadcast %broadcast_in_dim3A_244 : vector<256x1xi32> to vector<256x128xi32>
    %eq3A_249 = arith.cmpi eq, %select_n3A_228, %eq3A_248 : vector<256x128xi32>
    %select_n3A_250 = arith.select %eq3A_249, %select_n3A_229, %select_n3A_228 : vector<256x128xi1>, vector<256x128xi32>
    %select_n3A_251 = arith.select %eq3A_249, %select_n3A_230, %select_n3A_229 : vector<256x128xi1>, vector<256x128xi32>
    %select_n3A_252 = arith.select %eq3A_249, %select_n3A_231, %select_n3A_230 : vector<256x128xi1>, vector<256x128xi32>
    %select_n3A_253 = arith.select %eq3A_249, %select_n3A_232, %select_n3A_231 : vector<256x128xi1>, vector<256x128xi32>
    %select_n3A_254 = arith.select %eq3A_249, %select_n3A_233, %select_n3A_232 : vector<256x128xi1>, vector<256x128xi32>
    %select_n3A_255 = arith.select %eq3A_249, %select_n3A_234, %select_n3A_233 : vector<256x128xi1>, vector<256x128xi32>
    %select_n3A_256 = arith.select %eq3A_249, %select_n3A_235, %select_n3A_234 : vector<256x128xi1>, vector<256x128xi32>
    %select_n3A_257 = arith.select %eq3A_249, %select_n3A_236, %select_n3A_235 : vector<256x128xi1>, vector<256x128xi32>
    %select_n3A_258 = arith.select %eq3A_249, %select_n3A_237, %select_n3A_236 : vector<256x128xi1>, vector<256x128xi32>
    %select_n3A_259 = arith.select %eq3A_249, %select_n3A_238, %select_n3A_237 : vector<256x128xi1>, vector<256x128xi32>
    %select_n3A_260 = arith.select %eq3A_249, %select_n3A_239, %select_n3A_238 : vector<256x128xi1>, vector<256x128xi32>
    %select_n3A_261 = arith.select %eq3A_249, %select_n3A_240, %select_n3A_239 : vector<256x128xi1>, vector<256x128xi32>
    %select_n3A_262 = arith.select %eq3A_249, %select_n3A_241, %select_n3A_240 : vector<256x128xi1>, vector<256x128xi32>
    %reduce_min3A_263 = arith.constant dense<2147483647> : vector<256xi32>
    %reduce_min3A_264 = vector.multi_reduction <minsi>, %select_n3A_250, %reduce_min3A_263 [1] : vector<256x128xi32> to vector<256xi32>
    %broadcast_in_dim3A_265 = vector.shape_cast %reduce_min3A_264 : vector<256xi32> to vector<256x1xi32>
    %and3A_266 = arith.constant 2047 : i32
    %and3A_267 = vector.broadcast %and3A_266 : i32 to vector<256x1xi32>
    %and3A_268 = arith.andi %broadcast_in_dim3A_265, %and3A_267 : vector<256x1xi32>
    %eq3A_269 = vector.broadcast %broadcast_in_dim3A_265 : vector<256x1xi32> to vector<256x128xi32>
    %eq3A_270 = arith.cmpi eq, %select_n3A_250, %eq3A_269 : vector<256x128xi32>
    %select_n3A_271 = arith.select %eq3A_270, %select_n3A_251, %select_n3A_250 : vector<256x128xi1>, vector<256x128xi32>
    %select_n3A_272 = arith.select %eq3A_270, %select_n3A_252, %select_n3A_251 : vector<256x128xi1>, vector<256x128xi32>
    %select_n3A_273 = arith.select %eq3A_270, %select_n3A_253, %select_n3A_252 : vector<256x128xi1>, vector<256x128xi32>
    %select_n3A_274 = arith.select %eq3A_270, %select_n3A_254, %select_n3A_253 : vector<256x128xi1>, vector<256x128xi32>
    %select_n3A_275 = arith.select %eq3A_270, %select_n3A_255, %select_n3A_254 : vector<256x128xi1>, vector<256x128xi32>
    %select_n3A_276 = arith.select %eq3A_270, %select_n3A_256, %select_n3A_255 : vector<256x128xi1>, vector<256x128xi32>
    %select_n3A_277 = arith.select %eq3A_270, %select_n3A_257, %select_n3A_256 : vector<256x128xi1>, vector<256x128xi32>
    %select_n3A_278 = arith.select %eq3A_270, %select_n3A_258, %select_n3A_257 : vector<256x128xi1>, vector<256x128xi32>
    %select_n3A_279 = arith.select %eq3A_270, %select_n3A_259, %select_n3A_258 : vector<256x128xi1>, vector<256x128xi32>
    %select_n3A_280 = arith.select %eq3A_270, %select_n3A_260, %select_n3A_259 : vector<256x128xi1>, vector<256x128xi32>
    %select_n3A_281 = arith.select %eq3A_270, %select_n3A_261, %select_n3A_260 : vector<256x128xi1>, vector<256x128xi32>
    %select_n3A_282 = arith.select %eq3A_270, %select_n3A_262, %select_n3A_261 : vector<256x128xi1>, vector<256x128xi32>
    %reduce_min3A_283 = arith.constant dense<2147483647> : vector<256xi32>
    %reduce_min3A_284 = vector.multi_reduction <minsi>, %select_n3A_271, %reduce_min3A_283 [1] : vector<256x128xi32> to vector<256xi32>
    %broadcast_in_dim3A_285 = vector.shape_cast %reduce_min3A_284 : vector<256xi32> to vector<256x1xi32>
    %and3A_286 = arith.constant 2047 : i32
    %and3A_287 = vector.broadcast %and3A_286 : i32 to vector<256x1xi32>
    %and3A_288 = arith.andi %broadcast_in_dim3A_285, %and3A_287 : vector<256x1xi32>
    %eq3A_289 = vector.broadcast %broadcast_in_dim3A_285 : vector<256x1xi32> to vector<256x128xi32>
    %eq3A_290 = arith.cmpi eq, %select_n3A_271, %eq3A_289 : vector<256x128xi32>
    %select_n3A_291 = arith.select %eq3A_290, %select_n3A_272, %select_n3A_271 : vector<256x128xi1>, vector<256x128xi32>
    %select_n3A_292 = arith.select %eq3A_290, %select_n3A_273, %select_n3A_272 : vector<256x128xi1>, vector<256x128xi32>
    %select_n3A_293 = arith.select %eq3A_290, %select_n3A_274, %select_n3A_273 : vector<256x128xi1>, vector<256x128xi32>
    %select_n3A_294 = arith.select %eq3A_290, %select_n3A_275, %select_n3A_274 : vector<256x128xi1>, vector<256x128xi32>
    %select_n3A_295 = arith.select %eq3A_290, %select_n3A_276, %select_n3A_275 : vector<256x128xi1>, vector<256x128xi32>
    %select_n3A_296 = arith.select %eq3A_290, %select_n3A_277, %select_n3A_276 : vector<256x128xi1>, vector<256x128xi32>
    %select_n3A_297 = arith.select %eq3A_290, %select_n3A_278, %select_n3A_277 : vector<256x128xi1>, vector<256x128xi32>
    %select_n3A_298 = arith.select %eq3A_290, %select_n3A_279, %select_n3A_278 : vector<256x128xi1>, vector<256x128xi32>
    %select_n3A_299 = arith.select %eq3A_290, %select_n3A_280, %select_n3A_279 : vector<256x128xi1>, vector<256x128xi32>
    %select_n3A_300 = arith.select %eq3A_290, %select_n3A_281, %select_n3A_280 : vector<256x128xi1>, vector<256x128xi32>
    %select_n3A_301 = arith.select %eq3A_290, %select_n3A_282, %select_n3A_281 : vector<256x128xi1>, vector<256x128xi32>
    %reduce_min3A_302 = arith.constant dense<2147483647> : vector<256xi32>
    %reduce_min3A_303 = vector.multi_reduction <minsi>, %select_n3A_291, %reduce_min3A_302 [1] : vector<256x128xi32> to vector<256xi32>
    %broadcast_in_dim3A_304 = vector.shape_cast %reduce_min3A_303 : vector<256xi32> to vector<256x1xi32>
    %and3A_305 = arith.constant 2047 : i32
    %and3A_306 = vector.broadcast %and3A_305 : i32 to vector<256x1xi32>
    %and3A_307 = arith.andi %broadcast_in_dim3A_304, %and3A_306 : vector<256x1xi32>
    %eq3A_308 = vector.broadcast %broadcast_in_dim3A_304 : vector<256x1xi32> to vector<256x128xi32>
    %eq3A_309 = arith.cmpi eq, %select_n3A_291, %eq3A_308 : vector<256x128xi32>
    %select_n3A_310 = arith.select %eq3A_309, %select_n3A_292, %select_n3A_291 : vector<256x128xi1>, vector<256x128xi32>
    %select_n3A_311 = arith.select %eq3A_309, %select_n3A_293, %select_n3A_292 : vector<256x128xi1>, vector<256x128xi32>
    %select_n3A_312 = arith.select %eq3A_309, %select_n3A_294, %select_n3A_293 : vector<256x128xi1>, vector<256x128xi32>
    %select_n3A_313 = arith.select %eq3A_309, %select_n3A_295, %select_n3A_294 : vector<256x128xi1>, vector<256x128xi32>
    %select_n3A_314 = arith.select %eq3A_309, %select_n3A_296, %select_n3A_295 : vector<256x128xi1>, vector<256x128xi32>
    %select_n3A_315 = arith.select %eq3A_309, %select_n3A_297, %select_n3A_296 : vector<256x128xi1>, vector<256x128xi32>
    %select_n3A_316 = arith.select %eq3A_309, %select_n3A_298, %select_n3A_297 : vector<256x128xi1>, vector<256x128xi32>
    %select_n3A_317 = arith.select %eq3A_309, %select_n3A_299, %select_n3A_298 : vector<256x128xi1>, vector<256x128xi32>
    %select_n3A_318 = arith.select %eq3A_309, %select_n3A_300, %select_n3A_299 : vector<256x128xi1>, vector<256x128xi32>
    %select_n3A_319 = arith.select %eq3A_309, %select_n3A_301, %select_n3A_300 : vector<256x128xi1>, vector<256x128xi32>
    %reduce_min3A_320 = arith.constant dense<2147483647> : vector<256xi32>
    %reduce_min3A_321 = vector.multi_reduction <minsi>, %select_n3A_310, %reduce_min3A_320 [1] : vector<256x128xi32> to vector<256xi32>
    %broadcast_in_dim3A_322 = vector.shape_cast %reduce_min3A_321 : vector<256xi32> to vector<256x1xi32>
    %and3A_323 = arith.constant 2047 : i32
    %and3A_324 = vector.broadcast %and3A_323 : i32 to vector<256x1xi32>
    %and3A_325 = arith.andi %broadcast_in_dim3A_322, %and3A_324 : vector<256x1xi32>
    %eq3A_326 = vector.broadcast %broadcast_in_dim3A_322 : vector<256x1xi32> to vector<256x128xi32>
    %eq3A_327 = arith.cmpi eq, %select_n3A_310, %eq3A_326 : vector<256x128xi32>
    %select_n3A_328 = arith.select %eq3A_327, %select_n3A_311, %select_n3A_310 : vector<256x128xi1>, vector<256x128xi32>
    %select_n3A_329 = arith.select %eq3A_327, %select_n3A_312, %select_n3A_311 : vector<256x128xi1>, vector<256x128xi32>
    %select_n3A_330 = arith.select %eq3A_327, %select_n3A_313, %select_n3A_312 : vector<256x128xi1>, vector<256x128xi32>
    %select_n3A_331 = arith.select %eq3A_327, %select_n3A_314, %select_n3A_313 : vector<256x128xi1>, vector<256x128xi32>
    %select_n3A_332 = arith.select %eq3A_327, %select_n3A_315, %select_n3A_314 : vector<256x128xi1>, vector<256x128xi32>
    %select_n3A_333 = arith.select %eq3A_327, %select_n3A_316, %select_n3A_315 : vector<256x128xi1>, vector<256x128xi32>
    %select_n3A_334 = arith.select %eq3A_327, %select_n3A_317, %select_n3A_316 : vector<256x128xi1>, vector<256x128xi32>
    %select_n3A_335 = arith.select %eq3A_327, %select_n3A_318, %select_n3A_317 : vector<256x128xi1>, vector<256x128xi32>
    %select_n3A_336 = arith.select %eq3A_327, %select_n3A_319, %select_n3A_318 : vector<256x128xi1>, vector<256x128xi32>
    %reduce_min3A_337 = arith.constant dense<2147483647> : vector<256xi32>
    %reduce_min3A_338 = vector.multi_reduction <minsi>, %select_n3A_328, %reduce_min3A_337 [1] : vector<256x128xi32> to vector<256xi32>
    %broadcast_in_dim3A_339 = vector.shape_cast %reduce_min3A_338 : vector<256xi32> to vector<256x1xi32>
    %and3A_340 = arith.constant 2047 : i32
    %and3A_341 = vector.broadcast %and3A_340 : i32 to vector<256x1xi32>
    %and3A_342 = arith.andi %broadcast_in_dim3A_339, %and3A_341 : vector<256x1xi32>
    %eq3A_343 = vector.broadcast %broadcast_in_dim3A_339 : vector<256x1xi32> to vector<256x128xi32>
    %eq3A_344 = arith.cmpi eq, %select_n3A_328, %eq3A_343 : vector<256x128xi32>
    %select_n3A_345 = arith.select %eq3A_344, %select_n3A_329, %select_n3A_328 : vector<256x128xi1>, vector<256x128xi32>
    %select_n3A_346 = arith.select %eq3A_344, %select_n3A_330, %select_n3A_329 : vector<256x128xi1>, vector<256x128xi32>
    %select_n3A_347 = arith.select %eq3A_344, %select_n3A_331, %select_n3A_330 : vector<256x128xi1>, vector<256x128xi32>
    %select_n3A_348 = arith.select %eq3A_344, %select_n3A_332, %select_n3A_331 : vector<256x128xi1>, vector<256x128xi32>
    %select_n3A_349 = arith.select %eq3A_344, %select_n3A_333, %select_n3A_332 : vector<256x128xi1>, vector<256x128xi32>
    %select_n3A_350 = arith.select %eq3A_344, %select_n3A_334, %select_n3A_333 : vector<256x128xi1>, vector<256x128xi32>
    %select_n3A_351 = arith.select %eq3A_344, %select_n3A_335, %select_n3A_334 : vector<256x128xi1>, vector<256x128xi32>
    %select_n3A_352 = arith.select %eq3A_344, %select_n3A_336, %select_n3A_335 : vector<256x128xi1>, vector<256x128xi32>
    %reduce_min3A_353 = arith.constant dense<2147483647> : vector<256xi32>
    %reduce_min3A_354 = vector.multi_reduction <minsi>, %select_n3A_345, %reduce_min3A_353 [1] : vector<256x128xi32> to vector<256xi32>
    %broadcast_in_dim3A_355 = vector.shape_cast %reduce_min3A_354 : vector<256xi32> to vector<256x1xi32>
    %and3A_356 = arith.constant 2047 : i32
    %and3A_357 = vector.broadcast %and3A_356 : i32 to vector<256x1xi32>
    %and3A_358 = arith.andi %broadcast_in_dim3A_355, %and3A_357 : vector<256x1xi32>
    %eq3A_359 = vector.broadcast %broadcast_in_dim3A_355 : vector<256x1xi32> to vector<256x128xi32>
    %eq3A_360 = arith.cmpi eq, %select_n3A_345, %eq3A_359 : vector<256x128xi32>
    %select_n3A_361 = arith.select %eq3A_360, %select_n3A_346, %select_n3A_345 : vector<256x128xi1>, vector<256x128xi32>
    %select_n3A_362 = arith.select %eq3A_360, %select_n3A_347, %select_n3A_346 : vector<256x128xi1>, vector<256x128xi32>
    %select_n3A_363 = arith.select %eq3A_360, %select_n3A_348, %select_n3A_347 : vector<256x128xi1>, vector<256x128xi32>
    %select_n3A_364 = arith.select %eq3A_360, %select_n3A_349, %select_n3A_348 : vector<256x128xi1>, vector<256x128xi32>
    %select_n3A_365 = arith.select %eq3A_360, %select_n3A_350, %select_n3A_349 : vector<256x128xi1>, vector<256x128xi32>
    %select_n3A_366 = arith.select %eq3A_360, %select_n3A_351, %select_n3A_350 : vector<256x128xi1>, vector<256x128xi32>
    %select_n3A_367 = arith.select %eq3A_360, %select_n3A_352, %select_n3A_351 : vector<256x128xi1>, vector<256x128xi32>
    %reduce_min3A_368 = arith.constant dense<2147483647> : vector<256xi32>
    %reduce_min3A_369 = vector.multi_reduction <minsi>, %select_n3A_361, %reduce_min3A_368 [1] : vector<256x128xi32> to vector<256xi32>
    %broadcast_in_dim3A_370 = vector.shape_cast %reduce_min3A_369 : vector<256xi32> to vector<256x1xi32>
    %and3A_371 = arith.constant 2047 : i32
    %and3A_372 = vector.broadcast %and3A_371 : i32 to vector<256x1xi32>
    %and3A_373 = arith.andi %broadcast_in_dim3A_370, %and3A_372 : vector<256x1xi32>
    %eq3A_374 = vector.broadcast %broadcast_in_dim3A_370 : vector<256x1xi32> to vector<256x128xi32>
    %eq3A_375 = arith.cmpi eq, %select_n3A_361, %eq3A_374 : vector<256x128xi32>
    %select_n3A_376 = arith.select %eq3A_375, %select_n3A_362, %select_n3A_361 : vector<256x128xi1>, vector<256x128xi32>
    %select_n3A_377 = arith.select %eq3A_375, %select_n3A_363, %select_n3A_362 : vector<256x128xi1>, vector<256x128xi32>
    %select_n3A_378 = arith.select %eq3A_375, %select_n3A_364, %select_n3A_363 : vector<256x128xi1>, vector<256x128xi32>
    %select_n3A_379 = arith.select %eq3A_375, %select_n3A_365, %select_n3A_364 : vector<256x128xi1>, vector<256x128xi32>
    %select_n3A_380 = arith.select %eq3A_375, %select_n3A_366, %select_n3A_365 : vector<256x128xi1>, vector<256x128xi32>
    %select_n3A_381 = arith.select %eq3A_375, %select_n3A_367, %select_n3A_366 : vector<256x128xi1>, vector<256x128xi32>
    %reduce_min3A_382 = arith.constant dense<2147483647> : vector<256xi32>
    %reduce_min3A_383 = vector.multi_reduction <minsi>, %select_n3A_376, %reduce_min3A_382 [1] : vector<256x128xi32> to vector<256xi32>
    %broadcast_in_dim3A_384 = vector.shape_cast %reduce_min3A_383 : vector<256xi32> to vector<256x1xi32>
    %and3A_385 = arith.constant 2047 : i32
    %and3A_386 = vector.broadcast %and3A_385 : i32 to vector<256x1xi32>
    %and3A_387 = arith.andi %broadcast_in_dim3A_384, %and3A_386 : vector<256x1xi32>
    %eq3A_388 = vector.broadcast %broadcast_in_dim3A_384 : vector<256x1xi32> to vector<256x128xi32>
    %eq3A_389 = arith.cmpi eq, %select_n3A_376, %eq3A_388 : vector<256x128xi32>
    %select_n3A_390 = arith.select %eq3A_389, %select_n3A_377, %select_n3A_376 : vector<256x128xi1>, vector<256x128xi32>
    %select_n3A_391 = arith.select %eq3A_389, %select_n3A_378, %select_n3A_377 : vector<256x128xi1>, vector<256x128xi32>
    %select_n3A_392 = arith.select %eq3A_389, %select_n3A_379, %select_n3A_378 : vector<256x128xi1>, vector<256x128xi32>
    %select_n3A_393 = arith.select %eq3A_389, %select_n3A_380, %select_n3A_379 : vector<256x128xi1>, vector<256x128xi32>
    %select_n3A_394 = arith.select %eq3A_389, %select_n3A_381, %select_n3A_380 : vector<256x128xi1>, vector<256x128xi32>
    %reduce_min3A_395 = arith.constant dense<2147483647> : vector<256xi32>
    %reduce_min3A_396 = vector.multi_reduction <minsi>, %select_n3A_390, %reduce_min3A_395 [1] : vector<256x128xi32> to vector<256xi32>
    %broadcast_in_dim3A_397 = vector.shape_cast %reduce_min3A_396 : vector<256xi32> to vector<256x1xi32>
    %and3A_398 = arith.constant 2047 : i32
    %and3A_399 = vector.broadcast %and3A_398 : i32 to vector<256x1xi32>
    %and3A_400 = arith.andi %broadcast_in_dim3A_397, %and3A_399 : vector<256x1xi32>
    %eq3A_401 = vector.broadcast %broadcast_in_dim3A_397 : vector<256x1xi32> to vector<256x128xi32>
    %eq3A_402 = arith.cmpi eq, %select_n3A_390, %eq3A_401 : vector<256x128xi32>
    %select_n3A_403 = arith.select %eq3A_402, %select_n3A_391, %select_n3A_390 : vector<256x128xi1>, vector<256x128xi32>
    %select_n3A_404 = arith.select %eq3A_402, %select_n3A_392, %select_n3A_391 : vector<256x128xi1>, vector<256x128xi32>
    %select_n3A_405 = arith.select %eq3A_402, %select_n3A_393, %select_n3A_392 : vector<256x128xi1>, vector<256x128xi32>
    %select_n3A_406 = arith.select %eq3A_402, %select_n3A_394, %select_n3A_393 : vector<256x128xi1>, vector<256x128xi32>
    %reduce_min3A_407 = arith.constant dense<2147483647> : vector<256xi32>
    %reduce_min3A_408 = vector.multi_reduction <minsi>, %select_n3A_403, %reduce_min3A_407 [1] : vector<256x128xi32> to vector<256xi32>
    %broadcast_in_dim3A_409 = vector.shape_cast %reduce_min3A_408 : vector<256xi32> to vector<256x1xi32>
    %and3A_410 = arith.constant 2047 : i32
    %and3A_411 = vector.broadcast %and3A_410 : i32 to vector<256x1xi32>
    %and3A_412 = arith.andi %broadcast_in_dim3A_409, %and3A_411 : vector<256x1xi32>
    %eq3A_413 = vector.broadcast %broadcast_in_dim3A_409 : vector<256x1xi32> to vector<256x128xi32>
    %eq3A_414 = arith.cmpi eq, %select_n3A_403, %eq3A_413 : vector<256x128xi32>
    %select_n3A_415 = arith.select %eq3A_414, %select_n3A_404, %select_n3A_403 : vector<256x128xi1>, vector<256x128xi32>
    %select_n3A_416 = arith.select %eq3A_414, %select_n3A_405, %select_n3A_404 : vector<256x128xi1>, vector<256x128xi32>
    %select_n3A_417 = arith.select %eq3A_414, %select_n3A_406, %select_n3A_405 : vector<256x128xi1>, vector<256x128xi32>
    %reduce_min3A_418 = arith.constant dense<2147483647> : vector<256xi32>
    %reduce_min3A_419 = vector.multi_reduction <minsi>, %select_n3A_415, %reduce_min3A_418 [1] : vector<256x128xi32> to vector<256xi32>
    %broadcast_in_dim3A_420 = vector.shape_cast %reduce_min3A_419 : vector<256xi32> to vector<256x1xi32>
    %and3A_421 = arith.constant 2047 : i32
    %and3A_422 = vector.broadcast %and3A_421 : i32 to vector<256x1xi32>
    %and3A_423 = arith.andi %broadcast_in_dim3A_420, %and3A_422 : vector<256x1xi32>
    %eq3A_424 = vector.broadcast %broadcast_in_dim3A_420 : vector<256x1xi32> to vector<256x128xi32>
    %eq3A_425 = arith.cmpi eq, %select_n3A_415, %eq3A_424 : vector<256x128xi32>
    %select_n3A_426 = arith.select %eq3A_425, %select_n3A_416, %select_n3A_415 : vector<256x128xi1>, vector<256x128xi32>
    %select_n3A_427 = arith.select %eq3A_425, %select_n3A_417, %select_n3A_416 : vector<256x128xi1>, vector<256x128xi32>
    %reduce_min3A_428 = arith.constant dense<2147483647> : vector<256xi32>
    %reduce_min3A_429 = vector.multi_reduction <minsi>, %select_n3A_426, %reduce_min3A_428 [1] : vector<256x128xi32> to vector<256xi32>
    %broadcast_in_dim3A_430 = vector.shape_cast %reduce_min3A_429 : vector<256xi32> to vector<256x1xi32>
    %and3A_431 = arith.constant 2047 : i32
    %and3A_432 = vector.broadcast %and3A_431 : i32 to vector<256x1xi32>
    %and3A_433 = arith.andi %broadcast_in_dim3A_430, %and3A_432 : vector<256x1xi32>
    %eq3A_434 = vector.broadcast %broadcast_in_dim3A_430 : vector<256x1xi32> to vector<256x128xi32>
    %eq3A_435 = arith.cmpi eq, %select_n3A_426, %eq3A_434 : vector<256x128xi32>
    %select_n3A_436 = arith.select %eq3A_435, %select_n3A_427, %select_n3A_426 : vector<256x128xi1>, vector<256x128xi32>
    %reduce_min3A_437 = arith.constant dense<2147483647> : vector<256xi32>
    %reduce_min3A_438 = vector.multi_reduction <minsi>, %select_n3A_436, %reduce_min3A_437 [1] : vector<256x128xi32> to vector<256xi32>
    %broadcast_in_dim3A_439 = vector.shape_cast %reduce_min3A_438 : vector<256xi32> to vector<256x1xi32>
    %and3A_440 = arith.constant 2047 : i32
    %and3A_441 = vector.broadcast %and3A_440 : i32 to vector<256x1xi32>
    %and3A_442 = arith.andi %broadcast_in_dim3A_439, %and3A_441 : vector<256x1xi32>
    %concatenate3A = tpu.concatenate %and3A_203, %and3A_225, %and3A_247, %and3A_268, %and3A_288, %and3A_307, %and3A_325, %and3A_342, %and3A_358, %and3A_373, %and3A_387, %and3A_400, %and3A_412, %and3A_423, %and3A_433, %and3A_442 in 1 : vector<256x1xi32>, vector<256x1xi32>, vector<256x1xi32>, vector<256x1xi32>, vector<256x1xi32>, vector<256x1xi32>, vector<256x1xi32>, vector<256x1xi32>, vector<256x1xi32>, vector<256x1xi32>, vector<256x1xi32>, vector<256x1xi32>, vector<256x1xi32>, vector<256x1xi32>, vector<256x1xi32>, vector<256x1xi32> -> vector<256x16xi32>
    %mul3A_443 = arith.constant 2048 : i32
    %mul3A_444 = arith.muli %arg0, %mul3A_443 : i32
    %add3A_445 = vector.broadcast %mul3A_444 : i32 to vector<256x16xi32>
    %add3A_446 = arith.addi %concatenate3A, %add3A_445 : vector<256x16xi32>
    %swap3A = arith.constant 0 : index
    %swap3A_447 = arith.constant 0 : index
    %swap3A_448 = arith.constant 0 : index
    %swap3A_449 = vector.load %arg6[%swap3A, %swap3A_447, %swap3A_448] : memref<1x256x16xi32, #tpu.memory_space<vmem>>, vector<1x256x16xi32>
    %swap3A_450 = vector.shape_cast %swap3A_449 : vector<1x256x16xi32> to vector<256x16xi32>
    %swap3A_451 = vector.shape_cast %add3A_446 : vector<256x16xi32> to vector<1x256x16xi32>
    tpu.vector_store %arg6[%swap3A, %swap3A_447, %swap3A_448], %swap3A_451 {strides = array<i32>} : memref<1x256x16xi32, #tpu.memory_space<vmem>>, vector<1x256x16xi32>,
    %get3A_452 = arith.constant 0 : index
    %get3A_453 = arith.constant 0 : index
    %get3A_454 = vector.load %arg4[%get3A_452, %get3A_453] : memref<4x64xf32, #tpu.memory_space<vmem>>, vector<4x64xf32>
    %dot_general3A_455 = arith.constant dense<0.000000e+00> : vector<256x64xf32>
    %dot_general3A_456 = tpu.matmul %select_n3A, %get3A_454, %dot_general3A_455 {dimension_numbers = #tpu.dot_dimension_numbers<[1], [0], [0], [1], [0, 0, 1, 1], [], []>, transpose_lhs_hint = false} : vector<256x4xf32>, vector<4x64xf32>, vector<256x64xf32> -> vector<256x64xf32>
    %get3A_457 = arith.constant 0 : index
    %get3A_458 = arith.constant 0 : index
    %get3A_459 = vector.load %arg5[%get3A_457, %get3A_458] : memref<4x64xf32, #tpu.memory_space<vmem>>, vector<4x64xf32>
    %dot_general3A_460 = arith.constant dense<0.000000e+00> : vector<256x64xf32>
    %dot_general3A_461 = tpu.matmul %get3A_3, %get3A_459, %dot_general3A_460 {dimension_numbers = #tpu.dot_dimension_numbers<[1], [0], [0], [1], [0, 0, 1, 1], [], []>, transpose_lhs_hint = false} : vector<256x4xf32>, vector<4x64xf32>, vector<256x64xf32> -> vector<256x64xf32>
    %add3A_462 = arith.addf %dot_general3A_456, %dot_general3A_461 : vector<256x64xf32>
    %swap3A_463 = arith.constant 0 : index
    %swap3A_464 = arith.constant 0 : index
    %swap3A_465 = arith.constant 0 : index
    %swap3A_466 = vector.load %arg8[%swap3A_463, %swap3A_464, %swap3A_465] : memref<1x256x64xf32, #tpu.memory_space<vmem>>, vector<1x256x64xf32>
    %swap3A_467 = vector.shape_cast %swap3A_466 : vector<1x256x64xf32> to vector<256x64xf32>
    %swap3A_468 = vector.shape_cast %dot_general3A_456 : vector<256x64xf32> to vector<1x256x64xf32>
    tpu.vector_store %arg8[%swap3A_463, %swap3A_464, %swap3A_465], %swap3A_468 {strides = array<i32>} : memref<1x256x64xf32, #tpu.memory_space<vmem>>, vector<1x256x64xf32>,
    %broadcast_in_dim3A_469 = arith.constant 0.000000e+00 : f32
    %broadcast_in_dim3A_470 = vector.broadcast %broadcast_in_dim3A_469 : f32 to vector<256x64xf32>
    %concatenate3A_471 = tpu.concatenate %add3A_462, %broadcast_in_dim3A_470 in 1 : vector<256x64xf32>, vector<256x64xf32> -> vector<256x128xf32>
    %swap3A_472 = arith.constant 0 : index
    %swap3A_473 = arith.constant 0 : index
    %swap3A_474 = arith.constant 0 : index
    %swap3A_475 = vector.load %arg7[%swap3A_472, %swap3A_473, %swap3A_474] : memref<1x256x128xf32, #tpu.memory_space<vmem>>, vector<1x256x128xf32>
    %swap3A_476 = vector.shape_cast %swap3A_475 : vector<1x256x128xf32> to vector<256x128xf32>
    %swap3A_477 = vector.shape_cast %concatenate3A_471 : vector<256x128xf32> to vector<1x256x128xf32>
    tpu.vector_store %arg7[%swap3A_472, %swap3A_473, %swap3A_474], %swap3A_477 {strides = array<i32>} : memref<1x256x128xf32, #tpu.memory_space<vmem>>, vector<1x256x128xf32>,
    return
  }
  func.func @transform_0(%arg0: i32, %arg1: i32) -> (i32, i32, i32) {
    %c0_i32 = arith.constant 0 : i32
    %c0_i32_0 = arith.constant 0 : i32
    return %arg0, %arg1, %c0_i32 : i32, i32, i32
  }
  func.func @transform_1(%arg0: i32, %arg1: i32) -> (i32, i32, i32) {
    %c0_i32 = arith.constant 0 : i32
    %c0_i32_0 = arith.constant 0 : i32
    %c0_i32_1 = arith.constant 0 : i32
    return %arg0, %c0_i32, %c0_i32_0 : i32, i32, i32
  }
  func.func @transform_2(%arg0: i32, %arg1: i32) -> (i32, i32) {
    %c0_i32 = arith.constant 0 : i32
    %c0_i32_0 = arith.constant 0 : i32
    %c0_i32_1 = arith.constant 0 : i32
    return %c0_i32, %c0_i32_0 : i32, i32
  }
  func.func @transform_3(%arg0: i32, %arg1: i32) -> (i32, i32) {
    %c0_i32 = arith.constant 0 : i32
    %c0_i32_0 = arith.constant 0 : i32
    %c0_i32_1 = arith.constant 0 : i32
    return %c0_i32, %c0_i32_0 : i32, i32
  }
  func.func @transform_4(%arg0: i32, %arg1: i32) -> (i32, i32, i32) {
    %c0_i32 = arith.constant 0 : i32
    %c0_i32_0 = arith.constant 0 : i32
    return %arg0, %arg1, %c0_i32 : i32, i32, i32
  }
  func.func @transform_5(%arg0: i32, %arg1: i32) -> (i32, i32, i32) {
    %c0_i32 = arith.constant 0 : i32
    %c0_i32_0 = arith.constant 0 : i32
    return %arg0, %arg1, %c0_i32 : i32, i32, i32
  }
  func.func @transform_6(%arg0: i32, %arg1: i32) -> (i32, i32, i32) {
    %c0_i32 = arith.constant 0 : i32
    %c0_i32_0 = arith.constant 0 : i32
    return %arg0, %arg1, %c0_i32 : i32, i32, i32
  }
}

module attributes {stable_mosaic.version = 14 : i64} {
  func.func @_conv_kernel(%arg0: i32, %arg1: i32, %arg2: memref<4096x128xf32, #tpu.memory_space<vmem>>, %arg3: memref<1x256x64xf32, #tpu.memory_space<vmem>>, %arg4: memref<1x256x4xf32, #tpu.memory_space<vmem>>, %arg5: memref<1x64xf32, #tpu.memory_space<vmem>>, %arg6: memref<64x64xf32, #tpu.memory_space<vmem>>, %arg7: memref<1x64xf32, #tpu.memory_space<vmem>>, %arg8: memref<64x64xf32, #tpu.memory_space<vmem>>, %arg9: memref<1x64xf32, #tpu.memory_space<vmem>>, %arg10: memref<4x64xf32, #tpu.memory_space<vmem>>, %arg11: memref<64x64xf32, #tpu.memory_space<vmem>>, %arg12: memref<1x256x128xf32, #tpu.memory_space<vmem>>, %arg13: memref<1x256x64xf32, #tpu.memory_space<vmem>>) attributes {dimension_semantics = [#tpu.dimension_semantics<arbitrary>, #tpu.dimension_semantics<arbitrary>], iteration_bounds = array<i64: 16, 8>, scalar_prefetch = 0 : i64, scratch_operands = 0 : i64, tpu.core_type = #tpu.core_type<tc>, window_params = [{transform_indices = @transform_0, window_bounds = array<i64: 4096, 128>}, {transform_indices = @transform_1, window_bounds = array<i64: 1, 256, 64>}, {transform_indices = @transform_2, window_bounds = array<i64: 1, 256, 4>}, {pipeline_mode = #tpu.pipeline_mode<synchronous>, transform_indices = @transform_3, window_bounds = array<i64: 1, 64>}, {pipeline_mode = #tpu.pipeline_mode<synchronous>, transform_indices = @transform_4, window_bounds = array<i64: 64, 64>}, {pipeline_mode = #tpu.pipeline_mode<synchronous>, transform_indices = @transform_5, window_bounds = array<i64: 1, 64>}, {pipeline_mode = #tpu.pipeline_mode<synchronous>, transform_indices = @transform_6, window_bounds = array<i64: 64, 64>}, {pipeline_mode = #tpu.pipeline_mode<synchronous>, transform_indices = @transform_7, window_bounds = array<i64: 1, 64>}, {pipeline_mode = #tpu.pipeline_mode<synchronous>, transform_indices = @transform_8, window_bounds = array<i64: 4, 64>}, {pipeline_mode = #tpu.pipeline_mode<synchronous>, transform_indices = @transform_9, window_bounds = array<i64: 64, 64>}, {transform_indices = @transform_10, window_bounds = array<i64: 1, 256, 128>}, {transform_indices = @transform_11, window_bounds = array<i64: 1, 256, 64>}]} {
    %get3A = arith.constant 0 : index
    %get3A_0 = arith.constant 0 : index
    %get3A_1 = arith.constant 0 : index
    %get3A_2 = vector.load %arg3[%get3A, %get3A_0, %get3A_1] : memref<1x256x64xf32, #tpu.memory_space<vmem>>, vector<1x256x64xf32>
    %get3A_3 = vector.shape_cast %get3A_2 : vector<1x256x64xf32> to vector<256x64xf32>
    %get3A_4 = arith.constant 0 : index
    %get3A_5 = arith.constant 0 : index
    %get3A_6 = vector.load %arg5[%get3A_4, %get3A_5] : memref<1x64xf32, #tpu.memory_space<vmem>>, vector<1x64xf32>
    %get3A_7 = arith.constant 0 : index
    %get3A_8 = arith.constant 0 : index
    %get3A_9 = vector.load %arg7[%get3A_7, %get3A_8] : memref<1x64xf32, #tpu.memory_space<vmem>>, vector<1x64xf32>
    %get3A_10 = arith.constant 0 : index
    %get3A_11 = arith.constant 0 : index
    %get3A_12 = vector.load %arg2[%get3A_10, %get3A_11] : memref<4096x128xf32, #tpu.memory_space<vmem>>, vector<4096x128xf32>
    %slice3A = vector.extract_strided_slice %get3A_12 {offsets = [0, 0], sizes = [4096, 64], strides = [1, 1]} : vector<4096x128xf32> to vector<4096x64xf32>
    %broadcast_in_dim3A = vector.shape_cast %get3A_3 : vector<256x64xf32> to vector<256x1x64xf32>
    %broadcast_in_dim3A_13 = vector.shape_cast %broadcast_in_dim3A : vector<256x1x64xf32> to vector<256x1x64xf32>
    %broadcast_in_dim3A_14 = vector.broadcast %broadcast_in_dim3A_13 : vector<256x1x64xf32> to vector<256x16x64xf32>
    %reshape3A = vector.shape_cast %broadcast_in_dim3A_14 : vector<256x16x64xf32> to vector<4096x64xf32>
    %sub3A = arith.subf %slice3A, %reshape3A : vector<4096x64xf32>
    %add3A = vector.broadcast %get3A_6 : vector<1x64xf32> to vector<4096x64xf32>
    %add3A_15 = arith.addf %sub3A, %add3A : vector<4096x64xf32>
    %max3A = arith.constant 0.000000e+00 : f32
    %max3A_16 = vector.broadcast %max3A : f32 to vector<4096x64xf32>
    %max3A_17 = arith.maximumf %add3A_15, %max3A_16 : vector<4096x64xf32>
    %get3A_18 = arith.constant 0 : index
    %get3A_19 = arith.constant 0 : index
    %get3A_20 = vector.load %arg6[%get3A_18, %get3A_19] : memref<64x64xf32, #tpu.memory_space<vmem>>, vector<64x64xf32>
    %dot_general3A = arith.constant dense<0.000000e+00> : vector<4096x64xf32>
    %dot_general3A_21 = tpu.matmul %max3A_17, %get3A_20, %dot_general3A {dimension_numbers = #tpu.dot_dimension_numbers<[1], [0], [0], [1], [0, 0, 1, 1], [], []>, transpose_lhs_hint = false} : vector<4096x64xf32>, vector<64x64xf32>, vector<4096x64xf32> -> vector<4096x64xf32>
    %add3A_22 = vector.broadcast %get3A_9 : vector<1x64xf32> to vector<4096x64xf32>
    %add3A_23 = arith.addf %dot_general3A_21, %add3A_22 : vector<4096x64xf32>
    %reshape3A_24 = vector.shape_cast %add3A_23 : vector<4096x64xf32> to vector<256x16x64xf32>
    %reduce_max3A = arith.constant dense<0xFF800000> : vector<256x64xf32>
    %reduce_max3A_25 = vector.multi_reduction <maximumf>, %reshape3A_24, %reduce_max3A [1] : vector<256x16x64xf32> to vector<256x64xf32>
    %max3A_26 = arith.constant 0.000000e+00 : f32
    %max3A_27 = vector.broadcast %max3A_26 : f32 to vector<256x64xf32>
    %max3A_28 = arith.maximumf %reduce_max3A_25, %max3A_27 : vector<256x64xf32>
    %get3A_29 = arith.constant 0 : index
    %get3A_30 = arith.constant 0 : index
    %get3A_31 = vector.load %arg8[%get3A_29, %get3A_30] : memref<64x64xf32, #tpu.memory_space<vmem>>, vector<64x64xf32>
    %dot_general3A_32 = arith.constant dense<0.000000e+00> : vector<256x64xf32>
    %dot_general3A_33 = tpu.matmul %max3A_28, %get3A_31, %dot_general3A_32 {dimension_numbers = #tpu.dot_dimension_numbers<[1], [0], [0], [1], [0, 0, 1, 1], [], []>, transpose_lhs_hint = false} : vector<256x64xf32>, vector<64x64xf32>, vector<256x64xf32> -> vector<256x64xf32>
    %get3A_34 = arith.constant 0 : index
    %get3A_35 = arith.constant 0 : index
    %get3A_36 = vector.load %arg9[%get3A_34, %get3A_35] : memref<1x64xf32, #tpu.memory_space<vmem>>, vector<1x64xf32>
    %add3A_37 = vector.broadcast %get3A_36 : vector<1x64xf32> to vector<256x64xf32>
    %add3A_38 = arith.addf %dot_general3A_33, %add3A_37 : vector<256x64xf32>
    %max3A_39 = arith.constant 0.000000e+00 : f32
    %max3A_40 = vector.broadcast %max3A_39 : f32 to vector<256x64xf32>
    %max3A_41 = arith.maximumf %add3A_38, %max3A_40 : vector<256x64xf32>
    %get3A_42 = arith.constant 0 : index
    %get3A_43 = arith.constant 0 : index
    %get3A_44 = arith.constant 0 : index
    %get3A_45 = vector.load %arg4[%get3A_42, %get3A_43, %get3A_44] : memref<1x256x4xf32, #tpu.memory_space<vmem>>, vector<1x256x4xf32>
    %get3A_46 = vector.shape_cast %get3A_45 : vector<1x256x4xf32> to vector<256x4xf32>
    %iota3A = tpu.iota {dimensions = array<i32: 1>} : vector<256x4xi32>
    %lt3A = arith.constant 3 : i32
    %lt3A_47 = vector.broadcast %lt3A : i32 to vector<256x4xi32>
    %lt3A_48 = arith.cmpi slt, %iota3A, %lt3A_47 : vector<256x4xi32>
    %jit3A = arith.constant 0.000000e+00 : f32
    %broadcast_in_dim3A_49 = vector.broadcast %jit3A : f32 to vector<256x4xf32>
    %select_n3A = arith.select %lt3A_48, %get3A_46, %broadcast_in_dim3A_49 : vector<256x4xi1>, vector<256x4xf32>
    %get3A_50 = arith.constant 0 : index
    %get3A_51 = arith.constant 0 : index
    %get3A_52 = vector.load %arg10[%get3A_50, %get3A_51] : memref<4x64xf32, #tpu.memory_space<vmem>>, vector<4x64xf32>
    %dot_general3A_53 = arith.constant dense<0.000000e+00> : vector<256x64xf32>
    %dot_general3A_54 = tpu.matmul %select_n3A, %get3A_52, %dot_general3A_53 {dimension_numbers = #tpu.dot_dimension_numbers<[1], [0], [0], [1], [0, 0, 1, 1], [], []>, transpose_lhs_hint = false} : vector<256x4xf32>, vector<4x64xf32>, vector<256x64xf32> -> vector<256x64xf32>
    %get3A_55 = arith.constant 0 : index
    %get3A_56 = arith.constant 0 : index
    %get3A_57 = vector.load %arg11[%get3A_55, %get3A_56] : memref<64x64xf32, #tpu.memory_space<vmem>>, vector<64x64xf32>
    %dot_general3A_58 = arith.constant dense<0.000000e+00> : vector<256x64xf32>
    %dot_general3A_59 = tpu.matmul %max3A_41, %get3A_57, %dot_general3A_58 {dimension_numbers = #tpu.dot_dimension_numbers<[1], [0], [0], [1], [0, 0, 1, 1], [], []>, transpose_lhs_hint = false} : vector<256x64xf32>, vector<64x64xf32>, vector<256x64xf32> -> vector<256x64xf32>
    %add3A_60 = arith.addf %dot_general3A_54, %dot_general3A_59 : vector<256x64xf32>
    %swap3A = arith.constant 0 : index
    %swap3A_61 = arith.constant 0 : index
    %swap3A_62 = arith.constant 0 : index
    %swap3A_63 = vector.load %arg13[%swap3A, %swap3A_61, %swap3A_62] : memref<1x256x64xf32, #tpu.memory_space<vmem>>, vector<1x256x64xf32>
    %swap3A_64 = vector.shape_cast %swap3A_63 : vector<1x256x64xf32> to vector<256x64xf32>
    %swap3A_65 = vector.shape_cast %dot_general3A_54 : vector<256x64xf32> to vector<1x256x64xf32>
    tpu.vector_store %arg13[%swap3A, %swap3A_61, %swap3A_62], %swap3A_65 {strides = array<i32>} : memref<1x256x64xf32, #tpu.memory_space<vmem>>, vector<1x256x64xf32>,
    %broadcast_in_dim3A_66 = arith.constant 0.000000e+00 : f32
    %broadcast_in_dim3A_67 = vector.broadcast %broadcast_in_dim3A_66 : f32 to vector<256x64xf32>
    %concatenate3A = tpu.concatenate %add3A_60, %broadcast_in_dim3A_67 in 1 : vector<256x64xf32>, vector<256x64xf32> -> vector<256x128xf32>
    %swap3A_68 = arith.constant 0 : index
    %swap3A_69 = arith.constant 0 : index
    %swap3A_70 = arith.constant 0 : index
    %swap3A_71 = vector.load %arg12[%swap3A_68, %swap3A_69, %swap3A_70] : memref<1x256x128xf32, #tpu.memory_space<vmem>>, vector<1x256x128xf32>
    %swap3A_72 = vector.shape_cast %swap3A_71 : vector<1x256x128xf32> to vector<256x128xf32>
    %swap3A_73 = vector.shape_cast %concatenate3A : vector<256x128xf32> to vector<1x256x128xf32>
    tpu.vector_store %arg12[%swap3A_68, %swap3A_69, %swap3A_70], %swap3A_73 {strides = array<i32>} : memref<1x256x128xf32, #tpu.memory_space<vmem>>, vector<1x256x128xf32>,
    return
  }
  func.func @transform_0(%arg0: i32, %arg1: i32) -> (i32, i32) {
    %mul3A = arith.constant 8 : i32
    %mul3A_0 = arith.muli %arg0, %mul3A : i32
    %add3A = arith.addi %mul3A_0, %arg1 : i32
    %c0_i32 = arith.constant 0 : i32
    %c0_i32_1 = arith.constant 0 : i32
    return %add3A, %c0_i32 : i32, i32
  }
  func.func @transform_1(%arg0: i32, %arg1: i32) -> (i32, i32, i32) {
    %c0_i32 = arith.constant 0 : i32
    %c0_i32_0 = arith.constant 0 : i32
    return %arg0, %arg1, %c0_i32 : i32, i32, i32
  }
  func.func @transform_2(%arg0: i32, %arg1: i32) -> (i32, i32, i32) {
    %c0_i32 = arith.constant 0 : i32
    %c0_i32_0 = arith.constant 0 : i32
    return %arg0, %arg1, %c0_i32 : i32, i32, i32
  }
  func.func @transform_3(%arg0: i32, %arg1: i32) -> (i32, i32) {
    %c0_i32 = arith.constant 0 : i32
    %c0_i32_0 = arith.constant 0 : i32
    %c0_i32_1 = arith.constant 0 : i32
    return %c0_i32, %c0_i32_0 : i32, i32
  }
  func.func @transform_4(%arg0: i32, %arg1: i32) -> (i32, i32) {
    %c0_i32 = arith.constant 0 : i32
    %c0_i32_0 = arith.constant 0 : i32
    %c0_i32_1 = arith.constant 0 : i32
    return %c0_i32, %c0_i32_0 : i32, i32
  }
  func.func @transform_5(%arg0: i32, %arg1: i32) -> (i32, i32) {
    %c0_i32 = arith.constant 0 : i32
    %c0_i32_0 = arith.constant 0 : i32
    %c0_i32_1 = arith.constant 0 : i32
    return %c0_i32, %c0_i32_0 : i32, i32
  }
  func.func @transform_6(%arg0: i32, %arg1: i32) -> (i32, i32) {
    %c0_i32 = arith.constant 0 : i32
    %c0_i32_0 = arith.constant 0 : i32
    %c0_i32_1 = arith.constant 0 : i32
    return %c0_i32, %c0_i32_0 : i32, i32
  }
  func.func @transform_7(%arg0: i32, %arg1: i32) -> (i32, i32) {
    %c0_i32 = arith.constant 0 : i32
    %c0_i32_0 = arith.constant 0 : i32
    %c0_i32_1 = arith.constant 0 : i32
    return %c0_i32, %c0_i32_0 : i32, i32
  }
  func.func @transform_8(%arg0: i32, %arg1: i32) -> (i32, i32) {
    %c0_i32 = arith.constant 0 : i32
    %c0_i32_0 = arith.constant 0 : i32
    %c0_i32_1 = arith.constant 0 : i32
    return %c0_i32, %c0_i32_0 : i32, i32
  }
  func.func @transform_9(%arg0: i32, %arg1: i32) -> (i32, i32) {
    %c0_i32 = arith.constant 0 : i32
    %c0_i32_0 = arith.constant 0 : i32
    %c0_i32_1 = arith.constant 0 : i32
    return %c0_i32, %c0_i32_0 : i32, i32
  }
  func.func @transform_10(%arg0: i32, %arg1: i32) -> (i32, i32, i32) {
    %c0_i32 = arith.constant 0 : i32
    %c0_i32_0 = arith.constant 0 : i32
    return %arg0, %arg1, %c0_i32 : i32, i32, i32
  }
  func.func @transform_11(%arg0: i32, %arg1: i32) -> (i32, i32, i32) {
    %c0_i32 = arith.constant 0 : i32
    %c0_i32_0 = arith.constant 0 : i32
    return %arg0, %arg1, %c0_i32 : i32, i32, i32
  }
}

module attributes {stable_mosaic.version = 14 : i64} {
  func.func @_conv_kernel(%arg0: i32, %arg1: i32, %arg2: memref<4096x128xf32, #tpu.memory_space<vmem>>, %arg3: memref<1x256x64xf32, #tpu.memory_space<vmem>>, %arg4: memref<1x256x4xf32, #tpu.memory_space<vmem>>, %arg5: memref<1x64xf32, #tpu.memory_space<vmem>>, %arg6: memref<64x64xf32, #tpu.memory_space<vmem>>, %arg7: memref<1x64xf32, #tpu.memory_space<vmem>>, %arg8: memref<64x64xf32, #tpu.memory_space<vmem>>, %arg9: memref<1x64xf32, #tpu.memory_space<vmem>>, %arg10: memref<4x64xf32, #tpu.memory_space<vmem>>, %arg11: memref<64x64xf32, #tpu.memory_space<vmem>>, %arg12: memref<1x8x64xf32, #tpu.memory_space<vmem>>) attributes {dimension_semantics = [#tpu.dimension_semantics<arbitrary>, #tpu.dimension_semantics<arbitrary>], iteration_bounds = array<i64: 16, 8>, scalar_prefetch = 0 : i64, scratch_operands = 0 : i64, tpu.core_type = #tpu.core_type<tc>, window_params = [{transform_indices = @transform_0, window_bounds = array<i64: 4096, 128>}, {transform_indices = @transform_1, window_bounds = array<i64: 1, 256, 64>}, {transform_indices = @transform_2, window_bounds = array<i64: 1, 256, 4>}, {pipeline_mode = #tpu.pipeline_mode<synchronous>, transform_indices = @transform_3, window_bounds = array<i64: 1, 64>}, {pipeline_mode = #tpu.pipeline_mode<synchronous>, transform_indices = @transform_4, window_bounds = array<i64: 64, 64>}, {pipeline_mode = #tpu.pipeline_mode<synchronous>, transform_indices = @transform_5, window_bounds = array<i64: 1, 64>}, {pipeline_mode = #tpu.pipeline_mode<synchronous>, transform_indices = @transform_6, window_bounds = array<i64: 64, 64>}, {pipeline_mode = #tpu.pipeline_mode<synchronous>, transform_indices = @transform_7, window_bounds = array<i64: 1, 64>}, {pipeline_mode = #tpu.pipeline_mode<synchronous>, transform_indices = @transform_8, window_bounds = array<i64: 4, 64>}, {pipeline_mode = #tpu.pipeline_mode<synchronous>, transform_indices = @transform_9, window_bounds = array<i64: 64, 64>}, {transform_indices = @transform_10, window_bounds = array<i64: 1, 8, 64>}]} {
    %get3A = arith.constant 0 : index
    %get3A_0 = arith.constant 0 : index
    %get3A_1 = arith.constant 0 : index
    %get3A_2 = vector.load %arg3[%get3A, %get3A_0, %get3A_1] : memref<1x256x64xf32, #tpu.memory_space<vmem>>, vector<1x256x64xf32>
    %get3A_3 = vector.shape_cast %get3A_2 : vector<1x256x64xf32> to vector<256x64xf32>
    %get3A_4 = arith.constant 0 : index
    %get3A_5 = arith.constant 0 : index
    %get3A_6 = vector.load %arg5[%get3A_4, %get3A_5] : memref<1x64xf32, #tpu.memory_space<vmem>>, vector<1x64xf32>
    %get3A_7 = arith.constant 0 : index
    %get3A_8 = arith.constant 0 : index
    %get3A_9 = vector.load %arg7[%get3A_7, %get3A_8] : memref<1x64xf32, #tpu.memory_space<vmem>>, vector<1x64xf32>
    %get3A_10 = arith.constant 0 : index
    %get3A_11 = arith.constant 0 : index
    %get3A_12 = vector.load %arg2[%get3A_10, %get3A_11] : memref<4096x128xf32, #tpu.memory_space<vmem>>, vector<4096x128xf32>
    %slice3A = vector.extract_strided_slice %get3A_12 {offsets = [0, 0], sizes = [4096, 64], strides = [1, 1]} : vector<4096x128xf32> to vector<4096x64xf32>
    %broadcast_in_dim3A = vector.shape_cast %get3A_3 : vector<256x64xf32> to vector<256x1x64xf32>
    %broadcast_in_dim3A_13 = vector.shape_cast %broadcast_in_dim3A : vector<256x1x64xf32> to vector<256x1x64xf32>
    %broadcast_in_dim3A_14 = vector.broadcast %broadcast_in_dim3A_13 : vector<256x1x64xf32> to vector<256x16x64xf32>
    %reshape3A = vector.shape_cast %broadcast_in_dim3A_14 : vector<256x16x64xf32> to vector<4096x64xf32>
    %sub3A = arith.subf %slice3A, %reshape3A : vector<4096x64xf32>
    %add3A = vector.broadcast %get3A_6 : vector<1x64xf32> to vector<4096x64xf32>
    %add3A_15 = arith.addf %sub3A, %add3A : vector<4096x64xf32>
    %max3A = arith.constant 0.000000e+00 : f32
    %max3A_16 = vector.broadcast %max3A : f32 to vector<4096x64xf32>
    %max3A_17 = arith.maximumf %add3A_15, %max3A_16 : vector<4096x64xf32>
    %get3A_18 = arith.constant 0 : index
    %get3A_19 = arith.constant 0 : index
    %get3A_20 = vector.load %arg6[%get3A_18, %get3A_19] : memref<64x64xf32, #tpu.memory_space<vmem>>, vector<64x64xf32>
    %dot_general3A = arith.constant dense<0.000000e+00> : vector<4096x64xf32>
    %dot_general3A_21 = tpu.matmul %max3A_17, %get3A_20, %dot_general3A {dimension_numbers = #tpu.dot_dimension_numbers<[1], [0], [0], [1], [0, 0, 1, 1], [], []>, transpose_lhs_hint = false} : vector<4096x64xf32>, vector<64x64xf32>, vector<4096x64xf32> -> vector<4096x64xf32>
    %add3A_22 = vector.broadcast %get3A_9 : vector<1x64xf32> to vector<4096x64xf32>
    %add3A_23 = arith.addf %dot_general3A_21, %add3A_22 : vector<4096x64xf32>
    %reshape3A_24 = vector.shape_cast %add3A_23 : vector<4096x64xf32> to vector<256x16x64xf32>
    %reduce_max3A = arith.constant dense<0xFF800000> : vector<256x64xf32>
    %reduce_max3A_25 = vector.multi_reduction <maximumf>, %reshape3A_24, %reduce_max3A [1] : vector<256x16x64xf32> to vector<256x64xf32>
    %max3A_26 = arith.constant 0.000000e+00 : f32
    %max3A_27 = vector.broadcast %max3A_26 : f32 to vector<256x64xf32>
    %max3A_28 = arith.maximumf %reduce_max3A_25, %max3A_27 : vector<256x64xf32>
    %get3A_29 = arith.constant 0 : index
    %get3A_30 = arith.constant 0 : index
    %get3A_31 = vector.load %arg8[%get3A_29, %get3A_30] : memref<64x64xf32, #tpu.memory_space<vmem>>, vector<64x64xf32>
    %dot_general3A_32 = arith.constant dense<0.000000e+00> : vector<256x64xf32>
    %dot_general3A_33 = tpu.matmul %max3A_28, %get3A_31, %dot_general3A_32 {dimension_numbers = #tpu.dot_dimension_numbers<[1], [0], [0], [1], [0, 0, 1, 1], [], []>, transpose_lhs_hint = false} : vector<256x64xf32>, vector<64x64xf32>, vector<256x64xf32> -> vector<256x64xf32>
    %get3A_34 = arith.constant 0 : index
    %get3A_35 = arith.constant 0 : index
    %get3A_36 = vector.load %arg9[%get3A_34, %get3A_35] : memref<1x64xf32, #tpu.memory_space<vmem>>, vector<1x64xf32>
    %add3A_37 = vector.broadcast %get3A_36 : vector<1x64xf32> to vector<256x64xf32>
    %add3A_38 = arith.addf %dot_general3A_33, %add3A_37 : vector<256x64xf32>
    %max3A_39 = arith.constant 0.000000e+00 : f32
    %max3A_40 = vector.broadcast %max3A_39 : f32 to vector<256x64xf32>
    %max3A_41 = arith.maximumf %add3A_38, %max3A_40 : vector<256x64xf32>
    %reduce_max3A_42 = arith.constant dense<0xFF800000> : vector<64xf32>
    %reduce_max3A_43 = vector.multi_reduction <maximumf>, %max3A_41, %reduce_max3A_42 [0] : vector<256x64xf32> to vector<64xf32>
    %broadcast_in_dim3A_44 = vector.shape_cast %reduce_max3A_43 : vector<64xf32> to vector<1x64xf32>
    %swap3A = arith.constant 0 : index
    %swap3A_45 = arith.index_cast %arg1 : i32 to index
    %swap3A_46 = arith.constant 0 : index
    %swap3A_47 = vector.load %arg12[%swap3A, %swap3A_45, %swap3A_46] : memref<1x8x64xf32, #tpu.memory_space<vmem>>, vector<1x1x64xf32>
    %swap3A_48 = vector.shape_cast %swap3A_47 : vector<1x1x64xf32> to vector<1x64xf32>
    %swap3A_49 = vector.shape_cast %broadcast_in_dim3A_44 : vector<1x64xf32> to vector<1x1x64xf32>
    tpu.vector_store %arg12[%swap3A, %swap3A_45, %swap3A_46], %swap3A_49 {strides = array<i32>} : memref<1x8x64xf32, #tpu.memory_space<vmem>>, vector<1x1x64xf32>,
    return
  }
  func.func @transform_0(%arg0: i32, %arg1: i32) -> (i32, i32) {
    %mul3A = arith.constant 8 : i32
    %mul3A_0 = arith.muli %arg0, %mul3A : i32
    %add3A = arith.addi %mul3A_0, %arg1 : i32
    %c0_i32 = arith.constant 0 : i32
    %c0_i32_1 = arith.constant 0 : i32
    return %add3A, %c0_i32 : i32, i32
  }
  func.func @transform_1(%arg0: i32, %arg1: i32) -> (i32, i32, i32) {
    %c0_i32 = arith.constant 0 : i32
    %c0_i32_0 = arith.constant 0 : i32
    return %arg0, %arg1, %c0_i32 : i32, i32, i32
  }
  func.func @transform_2(%arg0: i32, %arg1: i32) -> (i32, i32, i32) {
    %c0_i32 = arith.constant 0 : i32
    %c0_i32_0 = arith.constant 0 : i32
    return %arg0, %arg1, %c0_i32 : i32, i32, i32
  }
  func.func @transform_3(%arg0: i32, %arg1: i32) -> (i32, i32) {
    %c0_i32 = arith.constant 0 : i32
    %c0_i32_0 = arith.constant 0 : i32
    %c0_i32_1 = arith.constant 0 : i32
    return %c0_i32, %c0_i32_0 : i32, i32
  }
  func.func @transform_4(%arg0: i32, %arg1: i32) -> (i32, i32) {
    %c0_i32 = arith.constant 0 : i32
    %c0_i32_0 = arith.constant 0 : i32
    %c0_i32_1 = arith.constant 0 : i32
    return %c0_i32, %c0_i32_0 : i32, i32
  }
  func.func @transform_5(%arg0: i32, %arg1: i32) -> (i32, i32) {
    %c0_i32 = arith.constant 0 : i32
    %c0_i32_0 = arith.constant 0 : i32
    %c0_i32_1 = arith.constant 0 : i32
    return %c0_i32, %c0_i32_0 : i32, i32
  }
  func.func @transform_6(%arg0: i32, %arg1: i32) -> (i32, i32) {
    %c0_i32 = arith.constant 0 : i32
    %c0_i32_0 = arith.constant 0 : i32
    %c0_i32_1 = arith.constant 0 : i32
    return %c0_i32, %c0_i32_0 : i32, i32
  }
  func.func @transform_7(%arg0: i32, %arg1: i32) -> (i32, i32) {
    %c0_i32 = arith.constant 0 : i32
    %c0_i32_0 = arith.constant 0 : i32
    %c0_i32_1 = arith.constant 0 : i32
    return %c0_i32, %c0_i32_0 : i32, i32
  }
  func.func @transform_8(%arg0: i32, %arg1: i32) -> (i32, i32) {
    %c0_i32 = arith.constant 0 : i32
    %c0_i32_0 = arith.constant 0 : i32
    %c0_i32_1 = arith.constant 0 : i32
    return %c0_i32, %c0_i32_0 : i32, i32
  }
  func.func @transform_9(%arg0: i32, %arg1: i32) -> (i32, i32) {
    %c0_i32 = arith.constant 0 : i32
    %c0_i32_0 = arith.constant 0 : i32
    %c0_i32_1 = arith.constant 0 : i32
    return %c0_i32, %c0_i32_0 : i32, i32
  }
  func.func @transform_10(%arg0: i32, %arg1: i32) -> (i32, i32, i32) {
    %c0_i32 = arith.constant 0 : i32
    %c0_i32_0 = arith.constant 0 : i32
    %c0_i32_1 = arith.constant 0 : i32
    return %arg0, %c0_i32, %c0_i32_0 : i32, i32, i32
  }
}

module attributes {stable_mosaic.version = 14 : i64} {
  func.func @_head_kernel(%arg0: memref<16x8x64xf32, #tpu.memory_space<vmem>>, %arg1: memref<64x128xf32, #tpu.memory_space<vmem>>, %arg2: memref<1x128xf32, #tpu.memory_space<vmem>>, %arg3: memref<128x64xf32, #tpu.memory_space<vmem>>, %arg4: memref<1x64xf32, #tpu.memory_space<vmem>>, %arg5: memref<64x3xf32, #tpu.memory_space<vmem>>, %arg6: memref<1x3xf32, #tpu.memory_space<vmem>>, %arg7: memref<16x3xf32, #tpu.memory_space<vmem>>) attributes {dimension_semantics = [], scalar_prefetch = 0 : i64, scratch_operands = 0 : i64, tpu.core_type = #tpu.core_type<tc>} {
    %get3A = arith.constant 0 : index
    %get3A_0 = arith.constant 0 : index
    %get3A_1 = arith.constant 0 : index
    %get3A_2 = vector.load %arg0[%get3A, %get3A_0, %get3A_1] : memref<16x8x64xf32, #tpu.memory_space<vmem>>, vector<16x8x64xf32>
    %slice3A = vector.extract_strided_slice %get3A_2 {offsets = [0, 0, 0], sizes = [16, 1, 64], strides = [1, 1, 1]} : vector<16x8x64xf32> to vector<16x1x64xf32>
    %squeeze3A = vector.shape_cast %slice3A : vector<16x1x64xf32> to vector<16x64xf32>
    %slice3A_3 = vector.extract_strided_slice %get3A_2 {offsets = [0, 1, 0], sizes = [16, 1, 64], strides = [1, 1, 1]} : vector<16x8x64xf32> to vector<16x1x64xf32>
    %squeeze3A_4 = vector.shape_cast %slice3A_3 : vector<16x1x64xf32> to vector<16x64xf32>
    %max3A = arith.maximumf %squeeze3A, %squeeze3A_4 : vector<16x64xf32>
    %slice3A_5 = vector.extract_strided_slice %get3A_2 {offsets = [0, 2, 0], sizes = [16, 1, 64], strides = [1, 1, 1]} : vector<16x8x64xf32> to vector<16x1x64xf32>
    %squeeze3A_6 = vector.shape_cast %slice3A_5 : vector<16x1x64xf32> to vector<16x64xf32>
    %max3A_7 = arith.maximumf %max3A, %squeeze3A_6 : vector<16x64xf32>
    %slice3A_8 = vector.extract_strided_slice %get3A_2 {offsets = [0, 3, 0], sizes = [16, 1, 64], strides = [1, 1, 1]} : vector<16x8x64xf32> to vector<16x1x64xf32>
    %squeeze3A_9 = vector.shape_cast %slice3A_8 : vector<16x1x64xf32> to vector<16x64xf32>
    %max3A_10 = arith.maximumf %max3A_7, %squeeze3A_9 : vector<16x64xf32>
    %slice3A_11 = vector.extract_strided_slice %get3A_2 {offsets = [0, 4, 0], sizes = [16, 1, 64], strides = [1, 1, 1]} : vector<16x8x64xf32> to vector<16x1x64xf32>
    %squeeze3A_12 = vector.shape_cast %slice3A_11 : vector<16x1x64xf32> to vector<16x64xf32>
    %max3A_13 = arith.maximumf %max3A_10, %squeeze3A_12 : vector<16x64xf32>
    %slice3A_14 = vector.extract_strided_slice %get3A_2 {offsets = [0, 5, 0], sizes = [16, 1, 64], strides = [1, 1, 1]} : vector<16x8x64xf32> to vector<16x1x64xf32>
    %squeeze3A_15 = vector.shape_cast %slice3A_14 : vector<16x1x64xf32> to vector<16x64xf32>
    %max3A_16 = arith.maximumf %max3A_13, %squeeze3A_15 : vector<16x64xf32>
    %slice3A_17 = vector.extract_strided_slice %get3A_2 {offsets = [0, 6, 0], sizes = [16, 1, 64], strides = [1, 1, 1]} : vector<16x8x64xf32> to vector<16x1x64xf32>
    %squeeze3A_18 = vector.shape_cast %slice3A_17 : vector<16x1x64xf32> to vector<16x64xf32>
    %max3A_19 = arith.maximumf %max3A_16, %squeeze3A_18 : vector<16x64xf32>
    %slice3A_20 = vector.extract_strided_slice %get3A_2 {offsets = [0, 7, 0], sizes = [16, 1, 64], strides = [1, 1, 1]} : vector<16x8x64xf32> to vector<16x1x64xf32>
    %squeeze3A_21 = vector.shape_cast %slice3A_20 : vector<16x1x64xf32> to vector<16x64xf32>
    %max3A_22 = arith.maximumf %max3A_19, %squeeze3A_21 : vector<16x64xf32>
    %get3A_23 = arith.constant 0 : index
    %get3A_24 = arith.constant 0 : index
    %get3A_25 = vector.load %arg1[%get3A_23, %get3A_24] : memref<64x128xf32, #tpu.memory_space<vmem>>, vector<64x128xf32>
    %dot_general3A = arith.constant dense<0.000000e+00> : vector<16x128xf32>
    %dot_general3A_26 = tpu.matmul %max3A_22, %get3A_25, %dot_general3A {dimension_numbers = #tpu.dot_dimension_numbers<[1], [0], [0], [1], [0, 0, 1, 1], [], []>, transpose_lhs_hint = false} : vector<16x64xf32>, vector<64x128xf32>, vector<16x128xf32> -> vector<16x128xf32>
    %get3A_27 = arith.constant 0 : index
    %get3A_28 = arith.constant 0 : index
    %get3A_29 = vector.load %arg2[%get3A_27, %get3A_28] : memref<1x128xf32, #tpu.memory_space<vmem>>, vector<1x128xf32>
    %add3A = vector.broadcast %get3A_29 : vector<1x128xf32> to vector<16x128xf32>
    %add3A_30 = arith.addf %dot_general3A_26, %add3A : vector<16x128xf32>
    %max3A_31 = arith.constant 0.000000e+00 : f32
    %max3A_32 = vector.broadcast %max3A_31 : f32 to vector<16x128xf32>
    %max3A_33 = arith.maximumf %add3A_30, %max3A_32 : vector<16x128xf32>
    %get3A_34 = arith.constant 0 : index
    %get3A_35 = arith.constant 0 : index
    %get3A_36 = vector.load %arg3[%get3A_34, %get3A_35] : memref<128x64xf32, #tpu.memory_space<vmem>>, vector<128x64xf32>
    %dot_general3A_37 = arith.constant dense<0.000000e+00> : vector<16x64xf32>
    %dot_general3A_38 = tpu.matmul %max3A_33, %get3A_36, %dot_general3A_37 {dimension_numbers = #tpu.dot_dimension_numbers<[1], [0], [0], [1], [0, 0, 1, 1], [], []>, transpose_lhs_hint = false} : vector<16x128xf32>, vector<128x64xf32>, vector<16x64xf32> -> vector<16x64xf32>
    %get3A_39 = arith.constant 0 : index
    %get3A_40 = arith.constant 0 : index
    %get3A_41 = vector.load %arg4[%get3A_39, %get3A_40] : memref<1x64xf32, #tpu.memory_space<vmem>>, vector<1x64xf32>
    %add3A_42 = vector.broadcast %get3A_41 : vector<1x64xf32> to vector<16x64xf32>
    %add3A_43 = arith.addf %dot_general3A_38, %add3A_42 : vector<16x64xf32>
    %max3A_44 = arith.constant 0.000000e+00 : f32
    %max3A_45 = vector.broadcast %max3A_44 : f32 to vector<16x64xf32>
    %max3A_46 = arith.maximumf %add3A_43, %max3A_45 : vector<16x64xf32>
    %get3A_47 = arith.constant 0 : index
    %get3A_48 = arith.constant 0 : index
    %get3A_49 = vector.load %arg5[%get3A_47, %get3A_48] : memref<64x3xf32, #tpu.memory_space<vmem>>, vector<64x3xf32>
    %dot_general3A_50 = arith.constant dense<0.000000e+00> : vector<16x3xf32>
    %dot_general3A_51 = tpu.matmul %max3A_46, %get3A_49, %dot_general3A_50 {dimension_numbers = #tpu.dot_dimension_numbers<[1], [0], [0], [1], [0, 0, 1, 1], [], []>, transpose_lhs_hint = false} : vector<16x64xf32>, vector<64x3xf32>, vector<16x3xf32> -> vector<16x3xf32>
    %get3A_52 = arith.constant 0 : index
    %get3A_53 = arith.constant 0 : index
    %get3A_54 = vector.load %arg6[%get3A_52, %get3A_53] : memref<1x3xf32, #tpu.memory_space<vmem>>, vector<1x3xf32>
    %add3A_55 = vector.broadcast %get3A_54 : vector<1x3xf32> to vector<16x3xf32>
    %add3A_56 = arith.addf %dot_general3A_51, %add3A_55 : vector<16x3xf32>
    %swap3A = arith.constant 0 : index
    %swap3A_57 = arith.constant 0 : index
    %swap3A_58 = vector.load %arg7[%swap3A, %swap3A_57] : memref<16x3xf32, #tpu.memory_space<vmem>>, vector<16x3xf32>
    tpu.vector_store %arg7[%swap3A, %swap3A_57], %add3A_56 {strides = array<i32>} : memref<16x3xf32, #tpu.memory_space<vmem>>, vector<16x3xf32>,
    return
  }
}

</mosaic_0001>

<sc_bundles>
// kernel: kernel.11.cloned.1.call-start
scs
__scs_entry_jumppad:
0x0: {  	(pc) =	sbr.rel $0x88, $3  }
0x1: {  	(tag) =	ssettag $0x0;
	lr =	simm.s32 $0x1  }
0x2: {  	[smem:$0x3F84] =	sst lr;
	_ =	strace $0xD0000000  }
0x3: {  	_ = 	snop  }
0x4: {  	_ = 	snop  }
0x5: {  	_ = 	snop  }
0x6: {  	_ = 	snop  }
0x7: {  	_ = 	snop  }
__scs_overlays_trampoline_lowered:
0x8: {  	[smem:$0x3F93] =	sst s0  }
0x9: {  	[smem:$0x3F94] =	sst s1  }
0xa: {  	[smem:$0x3F95] =	sst s2  }
0xb: {  	[smem:$0x3F96] =	sst s3  }
0xc: {  	[smem:$0x3F97] =	sst s4  }
0xd: {  	[smem:$0x3F98] =	sst s5  }
0xe: {  	[smem:$0x3F99] =	sst s6  }
0xf: {  	[smem:$0x3F9A] =	sst s7  }
0x10: {  	[smem:$0x3F9B] =	sst s8  }
0x11: {  	[smem:$0x3F9C] =	sst s9;
	s0 =	simm.s32 @!p0 $0x0  }
0x12: {  	s1 =	sld [smem:$0x3F82];
	s0 =	simm.s32 @p0 $0x1  }
0x13: {  	[smem:$0x3F9D] =	sst s0;
	s0 =	simm.s32 @!p1 $0x0  }
0x14: {  	s2 =	sld [smem:$0x3F81];
	s0 =	simm.s32 @p1 $0x1  }
0x15: {  	[smem:$0x3F9E] =	sst s0;
	s0 =	simm.s32 @!p2 $0x0  }
0x16: {  	s3 =	sld [smem:$0x3FDB];
	s0 =	simm.s32 @p2 $0x1  }
0x17: {  	s4 =	simm.s32 $0x1BF5;
	[smem:$0x3FA0] =	sst s0  }
0x18: {  	s0 =	sld [smem:$0x3F83];
	_ =	swait.ge [sflag:s4], $0x0  }
0x19: {  	s7 =	sld [smem:$0x3F84]  }
0x1a: {  	s8 =	sadd.s32 $0xFFFFE003, lr  }
0x1b: {  	s9 =	sadd.s32 $0xFFFFFEF7, lr;
	s5 =	simm.s32 $0xFFFFFFFF;
	p2 =	slt.u32 s8, $0xFFFFF086  }
0x1c: {  	p1 =	slt.u32 s9, $0xF7A;
	s5 =	simm.s32 @!p2 $0x0  }
0x1d: {  	s5 =	simm.s32 @p1 $0x1;
	p0 =	seq.s32 s7, s2  }
0x1e: {  	s7 =	smul.u32 @!p0 $0xF7A, s2;
	p2 =	seq.s32 @!p0 s5, $0x0  }
0x1f: {  	s9 =	smul.u32 $0xF7A, s1;
	s8 =	simm.s32 @!p0 $0x1BF5;
	p2 =	por !p2, p0  }
0x20: {  	[sflag:s8] =	ssyncset.s32 @!p0 $0xFFFFF086;
	s6 =	sadd.s32 @!p0 s3, s7;
	s7 =	simm.s32 @!p0 $0x108  }
0x21: {  	s3 =	sadd.s32 s3, s9;
	s6 =	sadd.s32 @!p0 $0x88, s6;
	s7 =	simm.s32 @p2 $0x1082  }
0x22: {  	[simem:s7], [sflag:s8] =	dma.local @!p0 [hbm:s6], $0xF7A  }
0x23: {  	s9 =	sor.u32 $0xD0000000, s2;
	s6 =	simm.s32 $0x108;
	_ =	swait.ge @!p0 [sflag:s8], $0x0  }
0x24: {  	s3 =	sadd.s32 $0x88, s3;
	s6 =	simm.s32 @!p1 $0x1082;
	[sflag:s4] =	ssyncset.s32 $0xFFFFF086  }
0x25: {  	[simem:s6], [sflag:s4] =	dma.local [hbm:s3], $0xF7A  }
0x26: {  	[smem:$0x3F84] =	sst s1;
	(tag) =	ssettag s2;
	_ =	strace s9  }
0x27: {  	s1 =	sld [smem:$0x3F94]  }
0x28: {  	s2 =	sld [smem:$0x3F95]  }
0x29: {  	s4 =	sld [smem:$0x3F97]  }
0x2a: {  	p0 =	seq.s32 s5, $0x0;
	s5 =	sld [smem:$0x3F98]  }
0x2b: {  	s6 =	sld [smem:$0x3F99]  }
0x2c: {  	s7 =	sld [smem:$0x3F9A]  }
0x2d: {  	s3 =	simm.s32 $0x108;
	s8 =	sld [smem:$0x3F9B]  }
0x2e: {  	s3 =	simm.s32 @!p0 $0x1082;
	s9 =	sld [smem:$0x3F9C]  }
0x2f: {  	lr =	sadd.s32 s0, s3;
	s0 =	sld [smem:$0x3F93]  }
0x30: {  	s3 =	sld [smem:$0x3F96]  }
0x31: {  	[smem:$0x3F9F] =	sst s10  }
0x32: {  	s10 =	sld [smem:$0x3F9D];
	_ =	sdelay $0x3  }
0x33: {  	p0 =	seq.s32 s10, $0x1;
	s10 =	sld [smem:$0x3F9F];
	_ =	sdelay $0x3  }
0x34: {  	[smem:$0x3F9F] =	sst s10  }
0x35: {  	s10 =	sld [smem:$0x3F9E];
	_ =	sdelay $0x3  }
0x36: {  	p1 =	seq.s32 s10, $0x1;
	s10 =	sld [smem:$0x3F9F];
	_ =	sdelay $0x3  }
0x37: {  	[smem:$0x3F9F] =	sst s10  }
0x38: {  	s10 =	sld [smem:$0x3FA0]  }
0x39: {  	_ = 	snop;
	(pc) =	sbr.ind lr, $3  }
0x3a: {  	_ = 	snop  }
0x3b: {  	_ = 	snop  }
0x3c: {  	p2 =	seq.s32 s10, $0x1;
	s10 =	sld [smem:$0x3F9F]  }
0x3d: {  	_ =	shalt  }
0x3e: {  	_ =	shalt  }
0x3f: {  	_ =	shalt  }
0x40: {  	_ =	shalt  }
0x41: {  	_ =	shalt  }
0x42: {  	_ =	shalt  }
0x43: {  	_ =	shalt  }
0x44: {  	_ =	shalt  }
0x45: {  	_ =	shalt  }
0x46: {  	_ =	shalt  }
0x47: {  	_ =	shalt  }
0x48: {  	_ =	shalt  }
0x49: {  	_ =	shalt  }
0x4a: {  	_ =	shalt  }
0x4b: {  	_ =	shalt  }
0x4c: {  	_ =	shalt  }
0x4d: {  	_ =	shalt  }
0x4e: {  	_ =	shalt  }
0x4f: {  	_ =	shalt  }
0x50: {  	_ =	shalt  }
0x51: {  	_ =	shalt  }
0x52: {  	_ =	shalt  }
0x53: {  	_ =	shalt  }
0x54: {  	_ =	shalt  }
0x55: {  	_ =	shalt  }
0x56: {  	_ =	shalt  }
0x57: {  	_ =	shalt  }
0x58: {  	_ =	shalt  }
0x59: {  	_ =	shalt  }
0x5a: {  	_ =	shalt  }
0x5b: {  	_ =	shalt  }
0x5c: {  	_ =	shalt  }
0x5d: {  	_ =	shalt  }
0x5e: {  	_ =	shalt  }
0x5f: {  	_ =	shalt  }
0x60: {  	_ =	shalt  }
0x61: {  	_ =	shalt  }
0x62: {  	_ =	shalt  }
0x63: {  	_ =	shalt  }
0x64: {  	_ =	shalt  }
0x65: {  	_ =	shalt  }
0x66: {  	_ =	shalt  }
0x67: {  	_ =	shalt  }
0x68: {  	_ =	shalt  }
0x69: {  	_ =	shalt  }
0x6a: {  	_ =	shalt  }
0x6b: {  	_ =	shalt  }
0x6c: {  	_ =	shalt  }
0x6d: {  	_ =	shalt  }
0x6e: {  	_ =	shalt  }
0x6f: {  	_ =	shalt  }
0x70: {  	_ =	shalt  }
0x71: {  	_ =	shalt  }
0x72: {  	_ =	shalt  }
0x73: {  	_ =	shalt  }
0x74: {  	_ =	shalt  }
0x75: {  	_ =	shalt  }
0x76: {  	_ =	shalt  }
0x77: {  	_ =	shalt  }
0x78: {  	_ =	shalt  }
0x79: {  	_ =	shalt  }
0x7a: {  	_ =	shalt  }
0x7b: {  	_ =	shalt  }
0x7c: {  	_ =	shalt  }
0x7d: {  	_ =	shalt  }
0x7e: {  	_ =	shalt  }
0x7f: {  	_ =	shalt  }
0x80: {  	_ =	shalt  }
0x81: {  	_ =	shalt  }
0x82: {  	_ =	shalt  }
0x83: {  	_ =	shalt  }
0x84: {  	_ =	shalt  }
0x85: {  	_ =	shalt  }
0x86: {  	_ =	shalt  }
0x87: {  	_ =	shalt  }
.Lfunc_end0:
.L_simem_size_0:
called_computation.1_lowered:
.L_overlay_start_0:
0x88: {  	s2 =	sld [smem:$0x3FD9]  }
0x89: {  	s3 =	sld [smem:$0x3FFE];
	_ =	sdelay $0x1  }
0x8a: {  	s1 =	srdreg.scid  }
0x8b: {  	s0 =	sand.u32 $0x1, s1  }
0x8c: {  	s16 =	sshll.u32 s0, $0xA;
	s2 =	sadd.s32 s3, s2  }
0x8d: {  	s2 =	sadd.s32 s2, s16  }
0x8e: {  	[smem:$0x3FAB] =	sst s2  }
0x8f: {  	_ = 	snop  }
0x90: {  	(tm) =	ssettm $0x1  }
0x91: {  	s17 =	sld [smem:$0x3FFB];
	_ =	sdelay $0x3  }
0x92: {  	_ =	strace s17  }
0x93: {  	s2 =	sld [smem:$0x3FFC];
	_ =	sdelay $0x3  }
0x94: {  	_ =	strace s2  }
0x95: {  	s2 =	sld [smem:$0x3FFD];
	_ =	sdelay $0x3  }
0x96: {  	_ =	strace s2  }
0x97: {  	_ =	strace $0x8FFFFFFF  }
0x98: {  	s18 =	sld [smem:$0x3FDB];
	_ =	sdelay $0x1  }
0x99: {  	s19 =	simm.s32 $_scs_section_size  }
0x9a: {  	s4 =	simm.s32 $_size__tile_overlayer_lowered;
	s5 =	simm.s32 $_tile_overlayer_lowered  }
0x9b: {  	s22 =	simm.s32 $0x1BFF;
	s21 =	sshll.u32 s5, $0x1;
	s2 =	sadd.s32 s19, s18  }
0x9c: {  	s6 =	simm.s32 $0x0;
	s20 =	sshll.u32 s4, $0x1;
	s4 =	sadd.s32 s21, s2  }
0x9d: {  	[timem:s6], [sflag:s22] =	dma.local [hbm:s4], s20  }
0x9e: {  	_ =	swait.ge [sflag:s22], s20  }
0x9f: {  	s3 =	ssub.s32 $0x0, s20;
	[sflag:s22] =	ssyncset.done $0x0  }
0xa0: {  	[sflag:s22] =	ssyncadd.s32 s3;
	_ =	sdelay $0x1  }
0xa1: {  	s23 =	simm.s32 $0x1B8B  }
0xa2: {  	_ =	swait.ge [sflag:s23], $0x1  }
0xa3: {  	[sflag:s23] =	ssyncset.done $0x0  }
0xa4: {  	s25 =	simm.s32 $0x1B8E;
	s24 =	sld [smem:$0x3FFE];
	[sflag:s23] =	ssyncadd.s32 $0xFFFFFFFF  }
0xa5: {  	s26 =	simm.s32 $execute0_lowered;
	[smem:$0x3FD2] =	sst s25  }
0xa6: {  	s4 =	sshll.u32 s26, $0x1;
	_ =	strace $0x80000049;
	[dreg:$0x1] =	wrdreg $0xFFFFFFFF  }
0xa7: {  	s28 =	simm.s32 $_size_execute0_lowered;
	s2 =	sadd.s32 s2, s4;
	[dreg:$0x0] =	wrdreg $0x0  }
0xa8: {  	s4 =	sshll.u32 s28, $0x1;
	[dreg:$0x2] =	wrdreg s2  }
0xa9: {  	[dreg:$0x3] =	wrdreg s4  }
0xaa: {  	[dreg:$0x4] =	wrdreg $0xC0  }
0xab: {  	_ =	task [dreg:s6], $0x5FFFF  }
0xac: {  	[dreg:$0x1] =	wrdreg $0xFFFFFFFF  }
0xad: {  	[dreg:$0x0] =	wrdreg $0x60  }
0xae: {  	[dreg:$0x2] =	wrdreg s24  }
0xaf: {  	[dreg:$0x3] =	wrdreg $0x9  }
0xb0: {  	_ =	task.clear_ibuf [dreg:s6], $0x4FFFF;
	_ =	strace $0x90000049  }
0xb1: {  	s29 =	simm.s32 $0x9;
	_ =	strace $0x8000004B  }
0xb2: {  	_ =	swait.ge [sflag:s29], $0x1  }
0xb3: {  	[sflag:s29] =	ssyncadd.s32 $0xFFFFFFFF  }
0xb4: {  	_ =	strace $0x9000004B  }
0xb5: {  	_ =	sfence  }
0xb6: {  	s30 =	sld [smem:$0x0];
	_ =	sdelay $0x2  }
0xb7: {  	s31 =	sshll.u32 s1, $0xD;
	s1 =	sshrl.u32 s1, $0x2  }
0xb8: {  	s3 =	sand.u32 $0x4000, s31;
	s1 =	sadd.s32 s1, s30  }
0xb9: {  	s0 =	sor.u32 s3, s0;
	s1 =	sshll.u32 s1, $0x11  }
0xba: {  	s0 =	sor.u32 s1, s0  }
0xbb: {  	s0 =	sadd.s32 $0x8F2B, s0  }
0xbc: {  	[sflag:s0] =	ssyncadd.remote.s32 $0x1  }
0xbd: {  	_ =	sfence.sel $0xFFFF  }
0xbe: {  	[dreg:$0x0] =	wrdreg $0xFFFFFFFF;
	(pc) =	sbr.abs _section_cstart, $3  }
0xbf: {  	[dreg:$0x1] =	wrdreg $0xFFFFFFFF  }
0xc0: {  	_ =	task.clear_ibuf [dreg:s6], $0x2FFFF;
	_ =	strace $0x9FFFFFFF  }
0xc1: {  	(tm) =	ssettm $0x7FFFFFFF  }
tec
execute0_lowered:
.L_overlay_start_1:
0x0: {  	(tag) =	ssettag $0x1  }
0x1: {  	s4 =	rddreg [dreg:$0x0]  }
0x2: {  	s0 =	rddreg [dreg:$0x1];
	s3 =	srdreg.scid  }
0x3: {  	s2 =	simm.s32 $0x0;
	s1 =	stileid.u32;
	s10 =	simm.s32 $0x8000  }
0x4: {  	s11 =	simm.s32 $0xC000;
	s12 =	simm.s32 $0x10000;
	s13 =	simm.s32 $0x1  }
0x5: {  	s14 =	simm.s32 $0x2;
	s15 =	simm.s32 $0x3;
	s16 =	simm.s32 $0x4  }
0x6: {  	s17 =	simm.s32 $0x5;
	s18 =	simm.s32 $0x6;
	s19 =	simm.s32 $0x7  }
0x7: {  	s20 =	simm.s32 $0x8;
	s21 =	simm.s32 $0x0;
	s5 =	sand.u32 $0x1, s3  }
0x8: {  	[smem:$0x7FF] =	sst s2;
	s6 =	sshll.u32 s1, $0xF;
	s3 =	sadd.s32 $0x106400, s4  }
0x9: {  	s30 =	sshll.u32 s1, $0x13;
	s7 =	sshll.u32 s5, $0xE;
	_ =	strace $0x8000004A  }
0xa: {  	s8 =	ssub.s32 $0x2, s5;
	s5 =	sshll.u32 s5, $0x12;
	s6 =	sor.u32 s7, s6  }
0xb: {  	s7 =	sadd.s32 s30, s4;
	s9 =	sshrl.u32 s8, $0x1;
	s6 =	sshrl.u32 s6, $0x3  }
0xc: {  	s31 =	ssub.s32 s8, s9;
	s7 =	sadd.s32 s5, s7;
	s8 =	simm.s32 $0x80  }
0xd: {  	s9 =	simm.s32 $0x4000;
	s4 =	sadd.s32 s6, s4;
	s6 =	sadd.s32 $0x196600, s7  }
0xe: {  	s5 =	smax.u32 s31, $0x1;
	s7 =	simm.s32 $0x9;
	s4 =	sadd.s32 $0x186600, s4  }
.LBB2_1:
0xf: {  	[tilespmem:s2], [sflag:$0x9] =	stream.linear.gather [hbm4b:s4+s2], $0x4000, $0x38;
	[tilespmem:$0x14000] =	vst v63  }
0x10: {  	_ =	swait.ge [sflag:s7], $0x4000  }
0x11: {  	[sflag:s7] =	ssyncset.done $0x0  }
0x12: {  	[sflag:s7] =	ssyncadd.s32 $0xFFFFC000  }
0x13: {  	[tilespmem:s9], [sflag:$0x1] =	stream.indirect.gather [hbm4b:s3+s8], $0x80, s2, s8, $0xb8;
	[tilespmem:$0x14000] =	vst v63  }
0x14: {  	s22 =	simm.s32 $0x80  }
0x15: {  	[tilespmem:s10], [sflag:$0x2] =	stream.indirect.gather [hbm4b:s3+s8], $0x80, s22, s8, $0xb8;
	[tilespmem:$0x14000] =	vst v63  }
0x16: {  	s28 =	simm.s32 $0x100  }
0x17: {  	[tilespmem:s11], [sflag:$0x3] =	stream.indirect.gather [hbm4b:s3+s8], $0x80, s28, s8, $0xb8;
	[tilespmem:$0x14000] =	vst v63  }
0x18: {  	s29 =	simm.s32 $0x180  }
0x19: {  	[tilespmem:s12], [sflag:$0x4] =	stream.indirect.gather [hbm4b:s3+s8], $0x80, s29, s8, $0xb8;
	[tilespmem:$0x14000] =	vst v63  }
0x1a: {  	_ =	swait.ge [sflag:s13], $0x4000  }
0x1b: {  	[sflag:s13] =	ssyncset.done $0x0  }
0x1c: {  	[sflag:s13] =	ssyncadd.s32 $0xFFFFC000  }
0x1d: {  	_ =	swait.ge [sflag:s14], $0x4000  }
0x1e: {  	[sflag:s14] =	ssyncset.done $0x0  }
0x1f: {  	[sflag:s14] =	ssyncadd.s32 $0xFFFFC000  }
0x20: {  	_ =	swait.ge [sflag:s15], $0x4000  }
0x21: {  	[sflag:s15] =	ssyncset.done $0x0  }
0x22: {  	[sflag:s15] =	ssyncadd.s32 $0xFFFFC000  }
0x23: {  	_ =	swait.ge [sflag:s16], $0x4000  }
0x24: {  	[sflag:s16] =	ssyncset.done $0x0  }
0x25: {  	s30 =	sadd.s32 $0x0, s6;
	[sflag:s16] =	ssyncadd.s32 $0xFFFFC000  }
0x26: {  	[hbm4b:s30+s2] =	stream.linear.scatter [tilespmem:s9], [sflag:$0x5], $0x4000, $0x38;
	[tilespmem:$0x14000] =	vst v63  }
0x27: {  	s23 =	sadd.s32 $0x800, s30  }
0x28: {  	[hbm4b:s23+s2] =	stream.linear.scatter [tilespmem:s10], [sflag:$0x6], $0x4000, $0x38;
	[tilespmem:$0x14000] =	vst v63  }
0x29: {  	s31 =	sadd.s32 $0x1000, s30  }
0x2a: {  	[hbm4b:s31+s2] =	stream.linear.scatter [tilespmem:s11], [sflag:$0x7], $0x4000, $0x38;
	[tilespmem:$0x14000] =	vst v63  }
0x2b: {  	s22 =	sadd.s32 $0x1800, s30  }
0x2c: {  	[hbm4b:s22+s2] =	stream.linear.scatter [tilespmem:s12], [sflag:$0x8], $0x4000, $0x38;
	[tilespmem:$0x14000] =	vst v63  }
0x2d: {  	_ =	swait.ge [sflag:s17], $0x4000  }
0x2e: {  	[sflag:s17] =	ssyncset.done $0x0  }
0x2f: {  	[sflag:s17] =	ssyncadd.s32 $0xFFFFC000  }
0x30: {  	_ =	swait.ge [sflag:s18], $0x4000  }
0x31: {  	[sflag:s18] =	ssyncset.done $0x0  }
0x32: {  	[sflag:s18] =	ssyncadd.s32 $0xFFFFC000  }
0x33: {  	_ =	swait.ge [sflag:s19], $0x4000  }
0x34: {  	[sflag:s19] =	ssyncset.done $0x0  }
0x35: {  	[sflag:s19] =	ssyncadd.s32 $0xFFFFC000  }
0x36: {  	_ =	swait.ge [sflag:s20], $0x4000  }
0x37: {  	s23 =	simm.s32 $0x0;
	s22 =	simm.s32 $0x2000;
	[sflag:s20] =	ssyncset.done $0x0  }
.LBB2_2:
0x38: {  	p0 =	sne.s32 s22, $0x3E000;
	[sflag:s20] =	ssyncadd.s32 $0xFFFFC000;
	s23 =	sadd.s32 $0x200, s23  }
0x39: {  	[tilespmem:s9], [sflag:$0x1] =	stream.indirect.gather [hbm4b:s3+s8], $0x80, s23, s8, $0xb8;
	[tilespmem:$0x14000] =	vst v63  }
0x3a: {  	s25 =	smov.u32 s22;
	s22 =	sadd.s32 $0x2000, s22;
	s24 =	sadd.s32 $0x80, s23  }
0x3b: {  	[tilespmem:s10], [sflag:$0x2] =	stream.indirect.gather [hbm4b:s3+s8], $0x80, s24, s8, $0xb8;
	[tilespmem:$0x14000] =	vst v63  }
0x3c: {  	s24 =	sadd.s32 $0x100, s23  }
0x3d: {  	[tilespmem:s11], [sflag:$0x3] =	stream.indirect.gather [hbm4b:s3+s8], $0x80, s24, s8, $0xb8;
	[tilespmem:$0x14000] =	vst v63  }
0x3e: {  	s24 =	sadd.s32 $0x180, s23  }
0x3f: {  	[tilespmem:s12], [sflag:$0x4] =	stream.indirect.gather [hbm4b:s3+s8], $0x80, s24, s8, $0xb8;
	[tilespmem:$0x14000] =	vst v63  }
0x40: {  	_ =	swait.ge [sflag:s13], $0x4000  }
0x41: {  	[sflag:s13] =	ssyncset.done $0x0  }
0x42: {  	[sflag:s13] =	ssyncadd.s32 $0xFFFFC000  }
0x43: {  	_ =	swait.ge [sflag:s14], $0x4000  }
0x44: {  	[sflag:s14] =	ssyncset.done $0x0  }
0x45: {  	[sflag:s14] =	ssyncadd.s32 $0xFFFFC000  }
0x46: {  	_ =	swait.ge [sflag:s15], $0x4000  }
0x47: {  	[sflag:s15] =	ssyncset.done $0x0  }
0x48: {  	[sflag:s15] =	ssyncadd.s32 $0xFFFFC000  }
0x49: {  	_ =	swait.ge [sflag:s16], $0x4000  }
0x4a: {  	[sflag:s16] =	ssyncset.done $0x0  }
0x4b: {  	s24 =	sadd.s32 s25, s6;
	[sflag:s16] =	ssyncadd.s32 $0xFFFFC000  }
0x4c: {  	[hbm4b:s24+s2] =	stream.linear.scatter [tilespmem:s9], [sflag:$0x5], $0x4000, $0x38;
	[tilespmem:$0x14000] =	vst v63  }
0x4d: {  	s25 =	sadd.s32 $0x800, s24  }
0x4e: {  	[hbm4b:s25+s2] =	stream.linear.scatter [tilespmem:s10], [sflag:$0x6], $0x4000, $0x38;
	[tilespmem:$0x14000] =	vst v63  }
0x4f: {  	s25 =	sadd.s32 $0x1000, s24  }
0x50: {  	[hbm4b:s25+s2] =	stream.linear.scatter [tilespmem:s11], [sflag:$0x7], $0x4000, $0x38;
	[tilespmem:$0x14000] =	vst v63  }
0x51: {  	s24 =	sadd.s32 $0x1800, s24  }
0x52: {  	[hbm4b:s24+s2] =	stream.linear.scatter [tilespmem:s12], [sflag:$0x8], $0x4000, $0x38;
	[tilespmem:$0x14000] =	vst v63  }
0x53: {  	_ =	swait.ge [sflag:s17], $0x4000  }
0x54: {  	[sflag:s17] =	ssyncset.done $0x0  }
0x55: {  	[sflag:s17] =	ssyncadd.s32 $0xFFFFC000  }
0x56: {  	_ =	swait.ge [sflag:s18], $0x4000  }
0x57: {  	[sflag:s18] =	ssyncset.done $0x0  }
0x58: {  	[sflag:s18] =	ssyncadd.s32 $0xFFFFC000  }
.Ltmp0:
0x59: {  	_ =	swait.ge [sflag:s19], $0x4000;
	(pc) =	sbr.rel @p0 .LBB2_2-.Ltmp0, $4  }
0x5a: {  	[sflag:s19] =	ssyncset.done $0x0  }
0x5b: {  	[sflag:s19] =	ssyncadd.s32 $0xFFFFC000  }
0x5c: {  	_ =	swait.ge [sflag:s20], $0x4000  }
0x5d: {  	[sflag:s20] =	ssyncset.done $0x0  }
0x5e: {  	s21 =	sadd.s32 $0x1, s21  }
0x5f: {  	p0 =	sne.s32 s21, s5  }
.Ltmp1:
0x60: {  	_ = 	snop;
	(pc) =	sbr.rel @p0 .LBB2_1-.Ltmp1, $2  }
0x61: {  	_ =	sdelay $0x2  }
0x62: {  	[sflag:s20] =	ssyncadd.s32 $0xFFFFC000  }
0x63: {  	_ =	sfence.sel $0x180000  }
0x64: {  	[bflag:$0x0] =	sbarrier.arrive $0xFFFF  }
0x65: {  	p0 =	sne.s32 s1, $0x0;
	_ =	strace $0x9000004A  }
0x66: {  	s0 =	sadd.s32 @!p0 $0x100000, s0;
	[bflag:$0x2] =	sbarrier.arrive $0xFFFF  }
0x67: {  	[sflag:s0] =	ssyncadd.tile.s32 @!p0 $0x1;
	_ =	shalt  }
.Lfunc_end2:
_tile_overlayer_lowered:
.L_overlay_start_2:
0x68: {  	(tag) =	ssettag $0x2  }
0x69: {  	s0 =	rddreg [dreg:$0x0];
	s2 =	stileid.u32  }
0x6a: {  	s1 =	rddreg [dreg:$0x1];
	p0 =	sne.s32 s2, $0x0  }
0x6b: {  	s3 =	rddreg [dreg:$0x2];
	[bflag:$0x3] =	sbarrier.arrive $0xFFFF;
	s2 =	simm.s32 @!p0 $0x1C09  }
0x6c: {  	[timem:s3], [sflag:s2] =	dma.local @!p0 [hbm:s0], s1  }
0x6d: {  	s0 =	simm.s32 @!p0 $0x9  }
0x6e: {  	_ =	swait.ge @!p0 [sflag:s0], s1  }
0x6f: {  	s1 =	ssub.s32 @!p0 $0x0, s1;
	[sflag:s0] =	ssyncset.done @!p0 $0x0  }
0x70: {  	[sflag:s0] =	ssyncadd.s32 @!p0 s1  }
0x71: {  	[bflag:$0x3] =	sbarrier.arrive $0xFFFF  }
0x72: {  	_ =	shalt  }

// kernel: kernel.8.cloned.1.call-start
scs
__scs_entry_jumppad:
0x0: {  	(pc) =	sbr.rel $0x88, $3  }
0x1: {  	(tag) =	ssettag $0x0;
	lr =	simm.s32 $0x1  }
0x2: {  	[smem:$0x3F84] =	sst lr;
	_ =	strace $0xD0000000  }
0x3: {  	_ = 	snop  }
0x4: {  	_ = 	snop  }
0x5: {  	_ = 	snop  }
0x6: {  	_ = 	snop  }
0x7: {  	_ = 	snop  }
__scs_overlays_trampoline_lowered:
0x8: {  	[smem:$0x3F93] =	sst s0  }
0x9: {  	[smem:$0x3F94] =	sst s1  }
0xa: {  	[smem:$0x3F95] =	sst s2  }
0xb: {  	[smem:$0x3F96] =	sst s3  }
0xc: {  	[smem:$0x3F97] =	sst s4  }
0xd: {  	[smem:$0x3F98] =	sst s5  }
0xe: {  	[smem:$0x3F99] =	sst s6  }
0xf: {  	[smem:$0x3F9A] =	sst s7  }
0x10: {  	[smem:$0x3F9B] =	sst s8  }
0x11: {  	[smem:$0x3F9C] =	sst s9;
	s0 =	simm.s32 @!p0 $0x0  }
0x12: {  	s1 =	sld [smem:$0x3F82];
	s0 =	simm.s32 @p0 $0x1  }
0x13: {  	[smem:$0x3F9D] =	sst s0;
	s0 =	simm.s32 @!p1 $0x0  }
0x14: {  	s2 =	sld [smem:$0x3F81];
	s0 =	simm.s32 @p1 $0x1  }
0x15: {  	[smem:$0x3F9E] =	sst s0;
	s0 =	simm.s32 @!p2 $0x0  }
0x16: {  	s3 =	sld [smem:$0x3FDB];
	s0 =	simm.s32 @p2 $0x1  }
0x17: {  	s4 =	simm.s32 $0x1BF5;
	[smem:$0x3FA0] =	sst s0  }
0x18: {  	s0 =	sld [smem:$0x3F83];
	_ =	swait.ge [sflag:s4], $0x0  }
0x19: {  	s7 =	sld [smem:$0x3F84]  }
0x1a: {  	s8 =	sadd.s32 $0xFFFFE003, lr  }
0x1b: {  	s9 =	sadd.s32 $0xFFFFFEF7, lr;
	s5 =	simm.s32 $0xFFFFFFFF;
	p2 =	slt.u32 s8, $0xFFFFF086  }
0x1c: {  	p1 =	slt.u32 s9, $0xF7A;
	s5 =	simm.s32 @!p2 $0x0  }
0x1d: {  	s5 =	simm.s32 @p1 $0x1;
	p0 =	seq.s32 s7, s2  }
0x1e: {  	s7 =	smul.u32 @!p0 $0xF7A, s2;
	p2 =	seq.s32 @!p0 s5, $0x0  }
0x1f: {  	s9 =	smul.u32 $0xF7A, s1;
	s8 =	simm.s32 @!p0 $0x1BF5;
	p2 =	por !p2, p0  }
0x20: {  	[sflag:s8] =	ssyncset.s32 @!p0 $0xFFFFF086;
	s6 =	sadd.s32 @!p0 s3, s7;
	s7 =	simm.s32 @!p0 $0x108  }
0x21: {  	s3 =	sadd.s32 s3, s9;
	s6 =	sadd.s32 @!p0 $0x88, s6;
	s7 =	simm.s32 @p2 $0x1082  }
0x22: {  	[simem:s7], [sflag:s8] =	dma.local @!p0 [hbm:s6], $0xF7A  }
0x23: {  	s9 =	sor.u32 $0xD0000000, s2;
	s6 =	simm.s32 $0x108;
	_ =	swait.ge @!p0 [sflag:s8], $0x0  }
0x24: {  	s3 =	sadd.s32 $0x88, s3;
	s6 =	simm.s32 @!p1 $0x1082;
	[sflag:s4] =	ssyncset.s32 $0xFFFFF086  }
0x25: {  	[simem:s6], [sflag:s4] =	dma.local [hbm:s3], $0xF7A  }
0x26: {  	[smem:$0x3F84] =	sst s1;
	(tag) =	ssettag s2;
	_ =	strace s9  }
0x27: {  	s1 =	sld [smem:$0x3F94]  }
0x28: {  	s2 =	sld [smem:$0x3F95]  }
0x29: {  	s4 =	sld [smem:$0x3F97]  }
0x2a: {  	p0 =	seq.s32 s5, $0x0;
	s5 =	sld [smem:$0x3F98]  }
0x2b: {  	s6 =	sld [smem:$0x3F99]  }
0x2c: {  	s7 =	sld [smem:$0x3F9A]  }
0x2d: {  	s3 =	simm.s32 $0x108;
	s8 =	sld [smem:$0x3F9B]  }
0x2e: {  	s3 =	simm.s32 @!p0 $0x1082;
	s9 =	sld [smem:$0x3F9C]  }
0x2f: {  	lr =	sadd.s32 s0, s3;
	s0 =	sld [smem:$0x3F93]  }
0x30: {  	s3 =	sld [smem:$0x3F96]  }
0x31: {  	[smem:$0x3F9F] =	sst s10  }
0x32: {  	s10 =	sld [smem:$0x3F9D];
	_ =	sdelay $0x3  }
0x33: {  	p0 =	seq.s32 s10, $0x1;
	s10 =	sld [smem:$0x3F9F];
	_ =	sdelay $0x3  }
0x34: {  	[smem:$0x3F9F] =	sst s10  }
0x35: {  	s10 =	sld [smem:$0x3F9E];
	_ =	sdelay $0x3  }
0x36: {  	p1 =	seq.s32 s10, $0x1;
	s10 =	sld [smem:$0x3F9F];
	_ =	sdelay $0x3  }
0x37: {  	[smem:$0x3F9F] =	sst s10  }
0x38: {  	s10 =	sld [smem:$0x3FA0]  }
0x39: {  	_ = 	snop;
	(pc) =	sbr.ind lr, $3  }
0x3a: {  	_ = 	snop  }
0x3b: {  	_ = 	snop  }
0x3c: {  	p2 =	seq.s32 s10, $0x1;
	s10 =	sld [smem:$0x3F9F]  }
0x3d: {  	_ =	shalt  }
0x3e: {  	_ =	shalt  }
0x3f: {  	_ =	shalt  }
0x40: {  	_ =	shalt  }
0x41: {  	_ =	shalt  }
0x42: {  	_ =	shalt  }
0x43: {  	_ =	shalt  }
0x44: {  	_ =	shalt  }
0x45: {  	_ =	shalt  }
0x46: {  	_ =	shalt  }
0x47: {  	_ =	shalt  }
0x48: {  	_ =	shalt  }
0x49: {  	_ =	shalt  }
0x4a: {  	_ =	shalt  }
0x4b: {  	_ =	shalt  }
0x4c: {  	_ =	shalt  }
0x4d: {  	_ =	shalt  }
0x4e: {  	_ =	shalt  }
0x4f: {  	_ =	shalt  }
0x50: {  	_ =	shalt  }
0x51: {  	_ =	shalt  }
0x52: {  	_ =	shalt  }
0x53: {  	_ =	shalt  }
0x54: {  	_ =	shalt  }
0x55: {  	_ =	shalt  }
0x56: {  	_ =	shalt  }
0x57: {  	_ =	shalt  }
0x58: {  	_ =	shalt  }
0x59: {  	_ =	shalt  }
0x5a: {  	_ =	shalt  }
0x5b: {  	_ =	shalt  }
0x5c: {  	_ =	shalt  }
0x5d: {  	_ =	shalt  }
0x5e: {  	_ =	shalt  }
0x5f: {  	_ =	shalt  }
0x60: {  	_ =	shalt  }
0x61: {  	_ =	shalt  }
0x62: {  	_ =	shalt  }
0x63: {  	_ =	shalt  }
0x64: {  	_ =	shalt  }
0x65: {  	_ =	shalt  }
0x66: {  	_ =	shalt  }
0x67: {  	_ =	shalt  }
0x68: {  	_ =	shalt  }
0x69: {  	_ =	shalt  }
0x6a: {  	_ =	shalt  }
0x6b: {  	_ =	shalt  }
0x6c: {  	_ =	shalt  }
0x6d: {  	_ =	shalt  }
0x6e: {  	_ =	shalt  }
0x6f: {  	_ =	shalt  }
0x70: {  	_ =	shalt  }
0x71: {  	_ =	shalt  }
0x72: {  	_ =	shalt  }
0x73: {  	_ =	shalt  }
0x74: {  	_ =	shalt  }
0x75: {  	_ =	shalt  }
0x76: {  	_ =	shalt  }
0x77: {  	_ =	shalt  }
0x78: {  	_ =	shalt  }
0x79: {  	_ =	shalt  }
0x7a: {  	_ =	shalt  }
0x7b: {  	_ =	shalt  }
0x7c: {  	_ =	shalt  }
0x7d: {  	_ =	shalt  }
0x7e: {  	_ =	shalt  }
0x7f: {  	_ =	shalt  }
0x80: {  	_ =	shalt  }
0x81: {  	_ =	shalt  }
0x82: {  	_ =	shalt  }
0x83: {  	_ =	shalt  }
0x84: {  	_ =	shalt  }
0x85: {  	_ =	shalt  }
0x86: {  	_ =	shalt  }
0x87: {  	_ =	shalt  }
.Lfunc_end0:
.L_simem_size_0:
called_computation_lowered:
.L_overlay_start_0:
0x88: {  	s2 =	sld [smem:$0x3FD9]  }
0x89: {  	s3 =	sld [smem:$0x3FFE];
	_ =	sdelay $0x1  }
0x8a: {  	s1 =	srdreg.scid  }
0x8b: {  	s0 =	sand.u32 $0x1, s1  }
0x8c: {  	s16 =	sshll.u32 s0, $0xA;
	s2 =	sadd.s32 s3, s2  }
0x8d: {  	s2 =	sadd.s32 s2, s16  }
0x8e: {  	[smem:$0x3FAB] =	sst s2  }
0x8f: {  	_ = 	snop  }
0x90: {  	(tm) =	ssettm $0x1  }
0x91: {  	s17 =	sld [smem:$0x3FFB];
	_ =	sdelay $0x3  }
0x92: {  	_ =	strace s17  }
0x93: {  	s2 =	sld [smem:$0x3FFC];
	_ =	sdelay $0x3  }
0x94: {  	_ =	strace s2  }
0x95: {  	s2 =	sld [smem:$0x3FFD];
	_ =	sdelay $0x3  }
0x96: {  	_ =	strace s2  }
0x97: {  	_ =	strace $0x8FFFFFFF  }
0x98: {  	s18 =	sld [smem:$0x3FDB];
	_ =	sdelay $0x1  }
0x99: {  	s19 =	simm.s32 $_scs_section_size  }
0x9a: {  	s4 =	simm.s32 $_size__tile_overlayer_lowered;
	s5 =	simm.s32 $_tile_overlayer_lowered  }
0x9b: {  	s22 =	simm.s32 $0x1BFF;
	s21 =	sshll.u32 s5, $0x1;
	s2 =	sadd.s32 s19, s18  }
0x9c: {  	s6 =	simm.s32 $0x0;
	s20 =	sshll.u32 s4, $0x1;
	s4 =	sadd.s32 s21, s2  }
0x9d: {  	[timem:s6], [sflag:s22] =	dma.local [hbm:s4], s20  }
0x9e: {  	_ =	swait.ge [sflag:s22], s20  }
0x9f: {  	s3 =	ssub.s32 $0x0, s20;
	[sflag:s22] =	ssyncset.done $0x0  }
0xa0: {  	[sflag:s22] =	ssyncadd.s32 s3;
	_ =	sdelay $0x1  }
0xa1: {  	s23 =	simm.s32 $0x1B8B  }
0xa2: {  	_ =	swait.ge [sflag:s23], $0x1  }
0xa3: {  	[sflag:s23] =	ssyncset.done $0x0  }
0xa4: {  	s25 =	simm.s32 $0x1B8E;
	s24 =	sld [smem:$0x3FFE];
	[sflag:s23] =	ssyncadd.s32 $0xFFFFFFFF  }
0xa5: {  	s26 =	simm.s32 $execute0_lowered;
	[smem:$0x3FD2] =	sst s25  }
0xa6: {  	s4 =	sshll.u32 s26, $0x1;
	_ =	strace $0x80000046;
	[dreg:$0x1] =	wrdreg $0xFFFFFFFF  }
0xa7: {  	s28 =	simm.s32 $_size_execute0_lowered;
	s2 =	sadd.s32 s2, s4;
	[dreg:$0x0] =	wrdreg $0x0  }
0xa8: {  	s4 =	sshll.u32 s28, $0x1;
	[dreg:$0x2] =	wrdreg s2  }
0xa9: {  	[dreg:$0x3] =	wrdreg s4  }
0xaa: {  	[dreg:$0x4] =	wrdreg $0xC0  }
0xab: {  	_ =	task [dreg:s6], $0x5FFFF  }
0xac: {  	[dreg:$0x1] =	wrdreg $0xFFFFFFFF  }
0xad: {  	[dreg:$0x0] =	wrdreg $0x60  }
0xae: {  	[dreg:$0x2] =	wrdreg s24  }
0xaf: {  	[dreg:$0x3] =	wrdreg $0x9  }
0xb0: {  	_ =	task.clear_ibuf [dreg:s6], $0x4FFFF;
	_ =	strace $0x90000046  }
0xb1: {  	s29 =	simm.s32 $0x9;
	_ =	strace $0x80000048  }
0xb2: {  	_ =	swait.ge [sflag:s29], $0x1  }
0xb3: {  	[sflag:s29] =	ssyncadd.s32 $0xFFFFFFFF  }
0xb4: {  	_ =	strace $0x90000048  }
0xb5: {  	_ =	sfence  }
0xb6: {  	s30 =	sld [smem:$0x0];
	_ =	sdelay $0x2  }
0xb7: {  	s31 =	sshll.u32 s1, $0xD;
	s1 =	sshrl.u32 s1, $0x2  }
0xb8: {  	s3 =	sand.u32 $0x4000, s31;
	s1 =	sadd.s32 s1, s30  }
0xb9: {  	s0 =	sor.u32 s3, s0;
	s1 =	sshll.u32 s1, $0x11  }
0xba: {  	s0 =	sor.u32 s1, s0  }
0xbb: {  	s0 =	sadd.s32 $0x8F2B, s0  }
0xbc: {  	[sflag:s0] =	ssyncadd.remote.s32 $0x1  }
0xbd: {  	_ =	sfence.sel $0xFFFF  }
0xbe: {  	[dreg:$0x0] =	wrdreg $0xFFFFFFFF;
	(pc) =	sbr.abs _section_cstart, $3  }
0xbf: {  	[dreg:$0x1] =	wrdreg $0xFFFFFFFF  }
0xc0: {  	_ =	task.clear_ibuf [dreg:s6], $0x2FFFF;
	_ =	strace $0x9FFFFFFF  }
0xc1: {  	(tm) =	ssettm $0x7FFFFFFF  }
tec
execute0_lowered:
.L_overlay_start_1:
0x0: {  	(tag) =	ssettag $0x1  }
0x1: {  	s4 =	rddreg [dreg:$0x0]  }
0x2: {  	s0 =	rddreg [dreg:$0x1];
	s3 =	srdreg.scid  }
0x3: {  	s2 =	simm.s32 $0x0;
	s1 =	stileid.u32;
	s10 =	simm.s32 $0x8000  }
0x4: {  	s11 =	simm.s32 $0xC000;
	s12 =	simm.s32 $0x10000;
	s13 =	simm.s32 $0x1  }
0x5: {  	s14 =	simm.s32 $0x2;
	s15 =	simm.s32 $0x3;
	s16 =	simm.s32 $0x4  }
0x6: {  	s17 =	simm.s32 $0x5;
	s18 =	simm.s32 $0x6;
	s19 =	simm.s32 $0x7  }
0x7: {  	s20 =	simm.s32 $0x8;
	s21 =	simm.s32 $0x0;
	s5 =	sand.u32 $0x1, s3  }
0x8: {  	[smem:$0x7FF] =	sst s2;
	s6 =	sshll.u32 s1, $0xF;
	s3 =	sadd.s32 $0x86600, s4  }
0x9: {  	s30 =	sshll.u32 s1, $0x13;
	s7 =	sshll.u32 s5, $0xE;
	_ =	strace $0x80000047  }
0xa: {  	s8 =	ssub.s32 $0x2, s5;
	s5 =	sshll.u32 s5, $0x12;
	s6 =	sor.u32 s7, s6  }
0xb: {  	s7 =	sadd.s32 s30, s4;
	s9 =	sshrl.u32 s8, $0x1;
	s6 =	sshrl.u32 s6, $0x3  }
0xc: {  	s31 =	ssub.s32 s8, s9;
	s7 =	sadd.s32 s5, s7;
	s8 =	simm.s32 $0x80  }
0xd: {  	s9 =	simm.s32 $0x4000;
	s4 =	sadd.s32 s6, s4;
	s6 =	sadd.s32 $0x196600, s7  }
0xe: {  	s5 =	smax.u32 s31, $0x1;
	s7 =	simm.s32 $0x9;
	s4 =	sadd.s32 $0x186600, s4  }
.LBB2_1:
0xf: {  	[tilespmem:s2], [sflag:$0x9] =	stream.linear.gather [hbm4b:s4+s2], $0x4000, $0x38;
	[tilespmem:$0x14000] =	vst v63  }
0x10: {  	_ =	swait.ge [sflag:s7], $0x4000  }
0x11: {  	[sflag:s7] =	ssyncset.done $0x0  }
0x12: {  	[sflag:s7] =	ssyncadd.s32 $0xFFFFC000  }
0x13: {  	[tilespmem:s9], [sflag:$0x1] =	stream.indirect.gather [hbm4b:s3+s8], $0x80, s2, s8, $0xb8;
	[tilespmem:$0x14000] =	vst v63  }
0x14: {  	s22 =	simm.s32 $0x80  }
0x15: {  	[tilespmem:s10], [sflag:$0x2] =	stream.indirect.gather [hbm4b:s3+s8], $0x80, s22, s8, $0xb8;
	[tilespmem:$0x14000] =	vst v63  }
0x16: {  	s28 =	simm.s32 $0x100  }
0x17: {  	[tilespmem:s11], [sflag:$0x3] =	stream.indirect.gather [hbm4b:s3+s8], $0x80, s28, s8, $0xb8;
	[tilespmem:$0x14000] =	vst v63  }
0x18: {  	s29 =	simm.s32 $0x180  }
0x19: {  	[tilespmem:s12], [sflag:$0x4] =	stream.indirect.gather [hbm4b:s3+s8], $0x80, s29, s8, $0xb8;
	[tilespmem:$0x14000] =	vst v63  }
0x1a: {  	_ =	swait.ge [sflag:s13], $0x4000  }
0x1b: {  	[sflag:s13] =	ssyncset.done $0x0  }
0x1c: {  	[sflag:s13] =	ssyncadd.s32 $0xFFFFC000  }
0x1d: {  	_ =	swait.ge [sflag:s14], $0x4000  }
0x1e: {  	[sflag:s14] =	ssyncset.done $0x0  }
0x1f: {  	[sflag:s14] =	ssyncadd.s32 $0xFFFFC000  }
0x20: {  	_ =	swait.ge [sflag:s15], $0x4000  }
0x21: {  	[sflag:s15] =	ssyncset.done $0x0  }
0x22: {  	[sflag:s15] =	ssyncadd.s32 $0xFFFFC000  }
0x23: {  	_ =	swait.ge [sflag:s16], $0x4000  }
0x24: {  	[sflag:s16] =	ssyncset.done $0x0  }
0x25: {  	s30 =	sadd.s32 $0x0, s6;
	[sflag:s16] =	ssyncadd.s32 $0xFFFFC000  }
0x26: {  	[hbm4b:s30+s2] =	stream.linear.scatter [tilespmem:s9], [sflag:$0x5], $0x4000, $0x38;
	[tilespmem:$0x14000] =	vst v63  }
0x27: {  	s23 =	sadd.s32 $0x800, s30  }
0x28: {  	[hbm4b:s23+s2] =	stream.linear.scatter [tilespmem:s10], [sflag:$0x6], $0x4000, $0x38;
	[tilespmem:$0x14000] =	vst v63  }
0x29: {  	s31 =	sadd.s32 $0x1000, s30  }
0x2a: {  	[hbm4b:s31+s2] =	stream.linear.scatter [tilespmem:s11], [sflag:$0x7], $0x4000, $0x38;
	[tilespmem:$0x14000] =	vst v63  }
0x2b: {  	s22 =	sadd.s32 $0x1800, s30  }
0x2c: {  	[hbm4b:s22+s2] =	stream.linear.scatter [tilespmem:s12], [sflag:$0x8], $0x4000, $0x38;
	[tilespmem:$0x14000] =	vst v63  }
0x2d: {  	_ =	swait.ge [sflag:s17], $0x4000  }
0x2e: {  	[sflag:s17] =	ssyncset.done $0x0  }
0x2f: {  	[sflag:s17] =	ssyncadd.s32 $0xFFFFC000  }
0x30: {  	_ =	swait.ge [sflag:s18], $0x4000  }
0x31: {  	[sflag:s18] =	ssyncset.done $0x0  }
0x32: {  	[sflag:s18] =	ssyncadd.s32 $0xFFFFC000  }
0x33: {  	_ =	swait.ge [sflag:s19], $0x4000  }
0x34: {  	[sflag:s19] =	ssyncset.done $0x0  }
0x35: {  	[sflag:s19] =	ssyncadd.s32 $0xFFFFC000  }
0x36: {  	_ =	swait.ge [sflag:s20], $0x4000  }
0x37: {  	s23 =	simm.s32 $0x0;
	s22 =	simm.s32 $0x2000;
	[sflag:s20] =	ssyncset.done $0x0  }
.LBB2_2:
0x38: {  	p0 =	sne.s32 s22, $0x3E000;
	[sflag:s20] =	ssyncadd.s32 $0xFFFFC000;
	s23 =	sadd.s32 $0x200, s23  }
0x39: {  	[tilespmem:s9], [sflag:$0x1] =	stream.indirect.gather [hbm4b:s3+s8], $0x80, s23, s8, $0xb8;
	[tilespmem:$0x14000] =	vst v63  }
0x3a: {  	s25 =	smov.u32 s22;
	s22 =	sadd.s32 $0x2000, s22;
	s24 =	sadd.s32 $0x80, s23  }
0x3b: {  	[tilespmem:s10], [sflag:$0x2] =	stream.indirect.gather [hbm4b:s3+s8], $0x80, s24, s8, $0xb8;
	[tilespmem:$0x14000] =	vst v63  }
0x3c: {  	s24 =	sadd.s32 $0x100, s23  }
0x3d: {  	[tilespmem:s11], [sflag:$0x3] =	stream.indirect.gather [hbm4b:s3+s8], $0x80, s24, s8, $0xb8;
	[tilespmem:$0x14000] =	vst v63  }
0x3e: {  	s24 =	sadd.s32 $0x180, s23  }
0x3f: {  	[tilespmem:s12], [sflag:$0x4] =	stream.indirect.gather [hbm4b:s3+s8], $0x80, s24, s8, $0xb8;
	[tilespmem:$0x14000] =	vst v63  }
0x40: {  	_ =	swait.ge [sflag:s13], $0x4000  }
0x41: {  	[sflag:s13] =	ssyncset.done $0x0  }
0x42: {  	[sflag:s13] =	ssyncadd.s32 $0xFFFFC000  }
0x43: {  	_ =	swait.ge [sflag:s14], $0x4000  }
0x44: {  	[sflag:s14] =	ssyncset.done $0x0  }
0x45: {  	[sflag:s14] =	ssyncadd.s32 $0xFFFFC000  }
0x46: {  	_ =	swait.ge [sflag:s15], $0x4000  }
0x47: {  	[sflag:s15] =	ssyncset.done $0x0  }
0x48: {  	[sflag:s15] =	ssyncadd.s32 $0xFFFFC000  }
0x49: {  	_ =	swait.ge [sflag:s16], $0x4000  }
0x4a: {  	[sflag:s16] =	ssyncset.done $0x0  }
0x4b: {  	s24 =	sadd.s32 s25, s6;
	[sflag:s16] =	ssyncadd.s32 $0xFFFFC000  }
0x4c: {  	[hbm4b:s24+s2] =	stream.linear.scatter [tilespmem:s9], [sflag:$0x5], $0x4000, $0x38;
	[tilespmem:$0x14000] =	vst v63  }
0x4d: {  	s25 =	sadd.s32 $0x800, s24  }
0x4e: {  	[hbm4b:s25+s2] =	stream.linear.scatter [tilespmem:s10], [sflag:$0x6], $0x4000, $0x38;
	[tilespmem:$0x14000] =	vst v63  }
0x4f: {  	s25 =	sadd.s32 $0x1000, s24  }
0x50: {  	[hbm4b:s25+s2] =	stream.linear.scatter [tilespmem:s11], [sflag:$0x7], $0x4000, $0x38;
	[tilespmem:$0x14000] =	vst v63  }
0x51: {  	s24 =	sadd.s32 $0x1800, s24  }
0x52: {  	[hbm4b:s24+s2] =	stream.linear.scatter [tilespmem:s12], [sflag:$0x8], $0x4000, $0x38;
	[tilespmem:$0x14000] =	vst v63  }
0x53: {  	_ =	swait.ge [sflag:s17], $0x4000  }
0x54: {  	[sflag:s17] =	ssyncset.done $0x0  }
0x55: {  	[sflag:s17] =	ssyncadd.s32 $0xFFFFC000  }
0x56: {  	_ =	swait.ge [sflag:s18], $0x4000  }
0x57: {  	[sflag:s18] =	ssyncset.done $0x0  }
0x58: {  	[sflag:s18] =	ssyncadd.s32 $0xFFFFC000  }
.Ltmp0:
0x59: {  	_ =	swait.ge [sflag:s19], $0x4000;
	(pc) =	sbr.rel @p0 .LBB2_2-.Ltmp0, $4  }
0x5a: {  	[sflag:s19] =	ssyncset.done $0x0  }
0x5b: {  	[sflag:s19] =	ssyncadd.s32 $0xFFFFC000  }
0x5c: {  	_ =	swait.ge [sflag:s20], $0x4000  }
0x5d: {  	[sflag:s20] =	ssyncset.done $0x0  }
0x5e: {  	s21 =	sadd.s32 $0x1, s21  }
0x5f: {  	p0 =	sne.s32 s21, s5  }
.Ltmp1:
0x60: {  	_ = 	snop;
	(pc) =	sbr.rel @p0 .LBB2_1-.Ltmp1, $2  }
0x61: {  	_ =	sdelay $0x2  }
0x62: {  	[sflag:s20] =	ssyncadd.s32 $0xFFFFC000  }
0x63: {  	_ =	sfence.sel $0x180000  }
0x64: {  	[bflag:$0x0] =	sbarrier.arrive $0xFFFF  }
0x65: {  	p0 =	sne.s32 s1, $0x0;
	_ =	strace $0x90000047  }
0x66: {  	s0 =	sadd.s32 @!p0 $0x100000, s0;
	[bflag:$0x2] =	sbarrier.arrive $0xFFFF  }
0x67: {  	[sflag:s0] =	ssyncadd.tile.s32 @!p0 $0x1;
	_ =	shalt  }
.Lfunc_end2:
_tile_overlayer_lowered:
.L_overlay_start_2:
0x68: {  	(tag) =	ssettag $0x2  }
0x69: {  	s0 =	rddreg [dreg:$0x0];
	s2 =	stileid.u32  }
0x6a: {  	s1 =	rddreg [dreg:$0x1];
	p0 =	sne.s32 s2, $0x0  }
0x6b: {  	s3 =	rddreg [dreg:$0x2];
	[bflag:$0x3] =	sbarrier.arrive $0xFFFF;
	s2 =	simm.s32 @!p0 $0x1C09  }
0x6c: {  	[timem:s3], [sflag:s2] =	dma.local @!p0 [hbm:s0], s1  }
0x6d: {  	s0 =	simm.s32 @!p0 $0x9  }
0x6e: {  	_ =	swait.ge @!p0 [sflag:s0], s1  }
0x6f: {  	s1 =	ssub.s32 @!p0 $0x0, s1;
	[sflag:s0] =	ssyncset.done @!p0 $0x0  }
0x70: {  	[sflag:s0] =	ssyncadd.s32 @!p0 s1  }
0x71: {  	[bflag:$0x3] =	sbarrier.arrive $0xFFFF  }
0x72: {  	_ =	shalt  }

</sc_bundles>
